<compile_context>
chip_gen: v7x
topology: tpu7x:2x2x1
jax: 0.10.2.dev20260603
libtpu: 0.0.44.dev20260713+nightly
codegen_flags: <defaults>
</compile_context>

<pallas_src>
import jax
import jax.numpy as jnp
from jax import lax
from jax.experimental import pallas as pl
from jax.experimental.pallas import tpu as pltpu
from jax.experimental.pallas import tpu_sc as plsc

SEQ_LEN = 200
EMBED_DIM = 32
BATCH = 4096

NUM_CORES = 2
NUM_SUBCORES = 16
NUM_WORKERS = NUM_CORES * NUM_SUBCORES
BPW = BATCH // NUM_WORKERS

L_BLK = 2
CHUNK = L_BLK * BPW
NUM_CHUNKS = SEQ_LEN // L_BLK
NBUF = 2
NUM_STEPS = NUM_CHUNKS // NBUF
NVREG = CHUNK // 16
OPITCH = BPW + 1


def _body(idxT_hbm, tbl_hbm, pos_hbm, out_hbm,
          idx_v, pos_v, g0, g1, o0, o1, sup0, sup1,
          psem, gsem0, gsem1, ssem0, ssem1):
    G = (g0, g1)
    O = (o0, o1)
    SUP = (sup0, sup1)
    GSEM = (gsem0, gsem1)
    SSEM = (ssem0, ssem1)

    wid = lax.axis_index("s") * NUM_CORES + lax.axis_index("c")
    bbase = wid * BPW

    pltpu.sync_copy(pos_hbm, pos_v)
    pltpu.async_copy(idxT_hbm.at[:, pl.ds(bbase, BPW)], idx_v, psem).wait()

    def prep(g, b):
        def cvt(k, c):
            row = g * L_BLK + lax.shift_right_logical(k, 3)
            col = lax.mul(lax.rem(k, 8), 16)
            SUP[b][pl.ds(k * 16, 16)] = idx_v[row, pl.ds(col, 16)]
            return c
        lax.fori_loop(0, NVREG, cvt, 0, unroll=4)

    def gather_start(b):
        pltpu.async_copy(tbl_hbm.at[SUP[b]], G[b], GSEM[b])

    def gather_wait(b):
        pltpu.make_async_copy(tbl_hbm.at[SUP[b]], G[b], GSEM[b]).wait()

    def scatter_start(g, b):
        pltpu.async_copy(O[b].at[:, :, :, pl.ds(0, BPW)],
                         out_hbm.at[pl.ds(g * L_BLK, L_BLK), :, wid],
                         SSEM[b])

    def scatter_wait(g, b):
        pltpu.make_async_copy(O[b].at[:, :, :, pl.ds(0, BPW)],
                              out_hbm.at[pl.ds(g * L_BLK, L_BLK), :, wid],
                              SSEM[b]).wait()

    iota = lax.iota(jnp.int32, 16)
    jt_lo = lax.shift_right_logical(iota, 3)
    js_lo = lax.rem(iota, 8)
    jt_hi = jt_lo + 2
    js_hi = js_lo

    def compute(g, b):
        gb, ob = G[b], O[b]
        for dl in range(L_BLK):
            l = g * L_BLK + dl
            p0 = pos_v[l, pl.ds(0, 16)]
            p1 = pos_v[l, pl.ds(16, 16)]
            dlv = jnp.full((16,), dl, jnp.int32)

            def bloop(bl, c):
                row = dl * BPW + bl
                blv = jnp.full((16,), bl, jnp.int32)
                plsc.store_scatter(ob, [dlv, jt_lo, js_lo, blv],
                                   gb[row, pl.ds(0, 16)] + p0)
                plsc.store_scatter(ob, [dlv, jt_hi, js_hi, blv],
                                   gb[row, pl.ds(16, 16)] + p1)
                return c

            lax.fori_loop(0, BPW, bloop, 0, unroll=8)

    for b in range(NBUF):
        prep(b, b)
        gather_start(b)

    def step(t, carry):
        for b in range(NBUF):
            g = t * NBUF + b
            gather_wait(b)

            @pl.when(t > 0)
            def _():
                scatter_wait(g - NBUF, b)

            compute(g, b)
            scatter_start(g, b)

            @pl.when(t < NUM_STEPS - 1)
            def _():
                prep(g + NBUF, b)
                gather_start(b)

        return carry

    lax.fori_loop(0, NUM_STEPS, step, 0, unroll=False)

    for b in range(NBUF):
        scatter_wait(NUM_CHUNKS - NBUF + b, b)


@jax.jit
def kernel(inputs, table, pos):
    idxT = inputs.T
    mesh = plsc.VectorSubcoreMesh(core_axis_name="c", subcore_axis_name="s")
    out6 = pl.kernel(
        _body,
        out_type=jax.ShapeDtypeStruct(
            (SEQ_LEN, EMBED_DIM // 8, NUM_WORKERS, 8, BPW), jnp.float32),
        mesh=mesh,
        compiler_params=pltpu.CompilerParams(use_tc_tiling_on_sc=False,
                                             needs_layout_passes=False),
        scratch_types=[
            pltpu.VMEM((SEQ_LEN, BPW), jnp.int32),
            pltpu.VMEM((SEQ_LEN, EMBED_DIM), jnp.float32),
            pltpu.VMEM((CHUNK, EMBED_DIM), jnp.float32),
            pltpu.VMEM((CHUNK, EMBED_DIM), jnp.float32),
            pltpu.VMEM((L_BLK, EMBED_DIM // 8, 8, OPITCH), jnp.float32),
            pltpu.VMEM((L_BLK, EMBED_DIM // 8, 8, OPITCH), jnp.float32),
            pltpu.VMEM((CHUNK,), jnp.int32),
            pltpu.VMEM((CHUNK,), jnp.int32),
            pltpu.SemaphoreType.DMA,
            pltpu.SemaphoreType.DMA,
            pltpu.SemaphoreType.DMA,
            pltpu.SemaphoreType.DMA,
            pltpu.SemaphoreType.DMA,
        ],
    )(idxT, table, pos)
    return out6.transpose(2, 4, 0, 1, 3).reshape(BATCH, SEQ_LEN, EMBED_DIM)

# --- scband reference (transcript-rebuilt; emitter-appended) ---
"""Pipeline reference for scband-positional-embedding-8005819039876 (READ-ONLY COPY).

The authoritative reference and input builder live on the scoring server;
editing this copy changes nothing except your own understanding.
"""

import jax, jax.numpy as jnp
import numpy as np

SEQ_LEN = 200
VOCAB = 1000000
EMBED_DIM = 32
BATCH = 4096

def pos_enc_matrix(L, d, n=10000):
    assert d % 2 == 0
    d2 = d // 2
    P = np.zeros((L, d), dtype=np.float64)
    k = np.arange(L).reshape(-1, 1)
    i = np.arange(d2).reshape(1, -1)
    denom = np.power(n, -i / d2)
    args = k * denom
    P[:, ::2] = np.sin(args)
    P[:, 1::2] = np.cos(args)
    return P.astype(np.float32)

def setup_inputs(seed: int = 0) -> dict:
    key = jax.random.key(seed)
    k1, k2 = jax.random.split(key)
    inputs = jax.random.randint(k1, (BATCH, SEQ_LEN), 0, VOCAB, dtype=jnp.int64 if jax.config.read('jax_enable_x64') else jnp.int32)
    table = jax.random.normal(k2, (VOCAB, EMBED_DIM), dtype=jnp.float32) * 0.02
    pos = jnp.asarray(pos_enc_matrix(SEQ_LEN, EMBED_DIM))
    return {"inputs": inputs, "table": table, "pos": pos}

def reference(inputs, table, pos):
    # token embedding lookup (gather) + fixed sinusoidal positional encoding
    embedded_tokens = jnp.take(table, inputs, axis=0)  # [B, L, D]
    return embedded_tokens + pos[None, :, :]

if __name__ == "__main__":
    import jax
    _d = setup_inputs()
    print(jax.jit(kernel)(*tuple(_d.values())))

</pallas_src>

<mosaic_0001>
#map = affine_map<(d0, d1) -> (0, 0)>
#map1 = affine_map<(d0, d1) -> (0, 0, 0, 0, 0)>
module attributes {stable_mosaic.version = 14 : i64} {
  func.func @_body(%arg0: i32, %arg1: i32, %arg2: memref<200x4096xi32, #tpu.memory_space<hbm>>, %arg3: memref<1000000x32xf32, #tpu.memory_space<hbm>>, %arg4: memref<200x32xf32, #tpu.memory_space<hbm>>, %arg5: memref<200x4x32x8x128xf32, #tpu.memory_space<hbm>>, %arg6: memref<200x128xi32, #tpu.memory_space<vmem>>, %arg7: memref<200x32xf32, #tpu.memory_space<vmem>>, %arg8: memref<256x32xf32, #tpu.memory_space<vmem>>, %arg9: memref<256x32xf32, #tpu.memory_space<vmem>>, %arg10: memref<2x4x8x129xf32, #tpu.memory_space<vmem>>, %arg11: memref<2x4x8x129xf32, #tpu.memory_space<vmem>>, %arg12: memref<256xi32, #tpu.memory_space<vmem>>, %arg13: memref<256xi32, #tpu.memory_space<vmem>>, %arg14: memref<!tpu.dma_semaphore, #tpu.memory_space<semaphore_mem>>, %arg15: memref<!tpu.dma_semaphore, #tpu.memory_space<semaphore_mem>>, %arg16: memref<!tpu.dma_semaphore, #tpu.memory_space<semaphore_mem>>, %arg17: memref<!tpu.dma_semaphore, #tpu.memory_space<semaphore_mem>>, %arg18: memref<!tpu.dma_semaphore, #tpu.memory_space<semaphore_mem>>) attributes {dimension_semantics = [#tpu.dimension_semantics<core_parallel>, #tpu.dimension_semantics<subcore_parallel>], iteration_bounds = array<i64: 2, 16>, scalar_prefetch = 0 : i64, scratch_operands = 13 : i64, tpu.core_type = #tpu.core_type<sc_vector_subcore>, window_params = [{transform_indices = #map}, {transform_indices = #map}, {transform_indices = #map}, {transform_indices = #map1}]} {
    %mul3A = arith.constant 2 : i32
    %mul3A_0 = arith.muli %arg1, %mul3A : i32
    %add3A = arith.addi %mul3A_0, %arg0 : i32
    %mul3A_1 = arith.constant 128 : i32
    %mul3A_2 = arith.muli %add3A, %mul3A_1 : i32
    "tpu.region"() ({
      %run_scoped3A = tpu.sem_alloc : memref<!tpu.dma_semaphore, #tpu.memory_space<semaphore_mem>>
      tpu.enqueue_dma source(%arg4 : memref<200x32xf32, #tpu.memory_space<hbm>>) target(%arg7 : memref<200x32xf32, #tpu.memory_space<vmem>>) target_semaphore(%run_scoped3A : memref<!tpu.dma_semaphore, #tpu.memory_space<semaphore_mem>>)
      tpu.wait_dma2 semaphore(%run_scoped3A : memref<!tpu.dma_semaphore, #tpu.memory_space<semaphore_mem>>) src(%arg4 : memref<200x32xf32, #tpu.memory_space<hbm>>) dst(%arg7 : memref<200x32xf32, #tpu.memory_space<vmem>>)
      tpu.yield
    }) : () -> ()
    %dma_start3A = arith.constant 0 : i32
    %dma_start3A_3 = tpu.memref_slice %arg2[%dma_start3A, %mul3A_2] : memref<200x4096xi32, #tpu.memory_space<hbm>> -> memref<200x128xi32, #tpu.memory_space<hbm>>
    %dma_start3A_4 = arith.constant 0 : i32
    %dma_start3A_5 = tpu.memref_slice %arg2[%dma_start3A_4, %mul3A_2] : memref<200x4096xi32, #tpu.memory_space<hbm>> -> memref<200x128xi32, #tpu.memory_space<hbm>>
    tpu.enqueue_dma source(%dma_start3A_5 : memref<200x128xi32, #tpu.memory_space<hbm>>) target(%arg6 : memref<200x128xi32, #tpu.memory_space<vmem>>) target_semaphore(%arg14 : memref<!tpu.dma_semaphore, #tpu.memory_space<semaphore_mem>>)
    %dma_wait3A = arith.constant 0 : i32
    %dma_wait3A_6 = tpu.memref_slice %arg2[%dma_wait3A, %mul3A_2] : memref<200x4096xi32, #tpu.memory_space<hbm>> -> memref<200x128xi32, #tpu.memory_space<hbm>>
    %dma_wait3A_7 = arith.constant 0 : i32
    %dma_wait3A_8 = tpu.memref_slice %arg2[%dma_wait3A_7, %mul3A_2] : memref<200x4096xi32, #tpu.memory_space<hbm>> -> memref<200x128xi32, #tpu.memory_space<hbm>>
    tpu.wait_dma2 semaphore(%arg14 : memref<!tpu.dma_semaphore, #tpu.memory_space<semaphore_mem>>) src(%dma_wait3A_8 : memref<200x128xi32, #tpu.memory_space<hbm>>) dst(%arg6 : memref<200x128xi32, #tpu.memory_space<vmem>>)
    %iota3A = tpu.iota {dimensions = array<i32: 0>} : vector<16xi32>
    %shift_right_logical3A = arith.constant 3 : i32
    %shift_right_logical3A_9 = vector.broadcast %shift_right_logical3A : i32 to vector<16xi32>
    %shift_right_logical3A_10 = arith.shrui %iota3A, %shift_right_logical3A_9 : vector<16xi32>
    %rem3A = arith.constant 8 : i32
    %rem3A_11 = vector.broadcast %rem3A : i32 to vector<16xi32>
    %rem3A_12 = arith.remsi %iota3A, %rem3A_11 : vector<16xi32>
    %add3A_13 = arith.constant 2 : i32
    %add3A_14 = vector.broadcast %add3A_13 : i32 to vector<16xi32>
    %add3A_15 = arith.addi %shift_right_logical3A_10, %add3A_14 : vector<16xi32>
    %scan3A = arith.constant 0 : i32
    %scan3A_16 = arith.constant 0 : i32
    %scan3A_17 = arith.constant 16 : i32
    %scan3A_18 = arith.addi %scan3A_16, %scan3A_17 : i32
    %scan3A_19 = arith.constant 4 : i32
    scf.for %scan3A_83 = %scan3A_16 to %scan3A_18 step %scan3A_19  : i32 {
      %shift_right_logical3A_84 = arith.constant 3 : i32
      %shift_right_logical3A_85 = arith.shrui %scan3A_83, %shift_right_logical3A_84 : i32
      %add3A_86 = arith.constant 0 : i32
      %add3A_87 = arith.addi %add3A_86, %shift_right_logical3A_85 : i32
      %rem3A_88 = arith.constant 8 : i32
      %rem3A_89 = arith.remsi %scan3A_83, %rem3A_88 : i32
      %mul3A_90 = arith.constant 16 : i32
      %mul3A_91 = arith.muli %rem3A_89, %mul3A_90 : i32
      %get3A = arith.index_cast %add3A_87 : i32 to index
      %get3A_92 = arith.index_cast %mul3A_91 : i32 to index
      %get3A_93 = tpu.vector_load %arg6[%get3A, %get3A_92] {strides = array<i32>} : memref<200x128xi32, #tpu.memory_space<vmem>>, vector<16xi32>,
      %mul3A_94 = arith.constant 16 : i32
      %mul3A_95 = arith.muli %scan3A_83, %mul3A_94 : i32
      %swap3A = arith.index_cast %mul3A_95 : i32 to index
      %swap3A_96 = tpu.vector_load %arg12[%swap3A] {strides = array<i32>} : memref<256xi32, #tpu.memory_space<vmem>>, vector<16xi32>,
      tpu.vector_store %arg12[%swap3A], %get3A_93 {strides = array<i32>} : memref<256xi32, #tpu.memory_space<vmem>>, vector<16xi32>,
      %scan3A_97 = arith.constant 1 : i32
      %scan3A_98 = arith.addi %scan3A_83, %scan3A_97 : i32
      %shift_right_logical3A_99 = arith.constant 3 : i32
      %shift_right_logical3A_100 = arith.shrui %scan3A_98, %shift_right_logical3A_99 : i32
      %add3A_101 = arith.constant 0 : i32
      %add3A_102 = arith.addi %add3A_101, %shift_right_logical3A_100 : i32
      %rem3A_103 = arith.constant 8 : i32
      %rem3A_104 = arith.remsi %scan3A_98, %rem3A_103 : i32
      %mul3A_105 = arith.constant 16 : i32
      %mul3A_106 = arith.muli %rem3A_104, %mul3A_105 : i32
      %get3A_107 = arith.index_cast %add3A_102 : i32 to index
      %get3A_108 = arith.index_cast %mul3A_106 : i32 to index
      %get3A_109 = tpu.vector_load %arg6[%get3A_107, %get3A_108] {strides = array<i32>} : memref<200x128xi32, #tpu.memory_space<vmem>>, vector<16xi32>,
      %mul3A_110 = arith.constant 16 : i32
      %mul3A_111 = arith.muli %scan3A_98, %mul3A_110 : i32
      %swap3A_112 = arith.index_cast %mul3A_111 : i32 to index
      %swap3A_113 = tpu.vector_load %arg12[%swap3A_112] {strides = array<i32>} : memref<256xi32, #tpu.memory_space<vmem>>, vector<16xi32>,
      tpu.vector_store %arg12[%swap3A_112], %get3A_109 {strides = array<i32>} : memref<256xi32, #tpu.memory_space<vmem>>, vector<16xi32>,
      %scan3A_114 = arith.constant 2 : i32
      %scan3A_115 = arith.addi %scan3A_83, %scan3A_114 : i32
      %shift_right_logical3A_116 = arith.constant 3 : i32
      %shift_right_logical3A_117 = arith.shrui %scan3A_115, %shift_right_logical3A_116 : i32
      %add3A_118 = arith.constant 0 : i32
      %add3A_119 = arith.addi %add3A_118, %shift_right_logical3A_117 : i32
      %rem3A_120 = arith.constant 8 : i32
      %rem3A_121 = arith.remsi %scan3A_115, %rem3A_120 : i32
      %mul3A_122 = arith.constant 16 : i32
      %mul3A_123 = arith.muli %rem3A_121, %mul3A_122 : i32
      %get3A_124 = arith.index_cast %add3A_119 : i32 to index
      %get3A_125 = arith.index_cast %mul3A_123 : i32 to index
      %get3A_126 = tpu.vector_load %arg6[%get3A_124, %get3A_125] {strides = array<i32>} : memref<200x128xi32, #tpu.memory_space<vmem>>, vector<16xi32>,
      %mul3A_127 = arith.constant 16 : i32
      %mul3A_128 = arith.muli %scan3A_115, %mul3A_127 : i32
      %swap3A_129 = arith.index_cast %mul3A_128 : i32 to index
      %swap3A_130 = tpu.vector_load %arg12[%swap3A_129] {strides = array<i32>} : memref<256xi32, #tpu.memory_space<vmem>>, vector<16xi32>,
      tpu.vector_store %arg12[%swap3A_129], %get3A_126 {strides = array<i32>} : memref<256xi32, #tpu.memory_space<vmem>>, vector<16xi32>,
      %scan3A_131 = arith.constant 3 : i32
      %scan3A_132 = arith.addi %scan3A_83, %scan3A_131 : i32
      %shift_right_logical3A_133 = arith.constant 3 : i32
      %shift_right_logical3A_134 = arith.shrui %scan3A_132, %shift_right_logical3A_133 : i32
      %add3A_135 = arith.constant 0 : i32
      %add3A_136 = arith.addi %add3A_135, %shift_right_logical3A_134 : i32
      %rem3A_137 = arith.constant 8 : i32
      %rem3A_138 = arith.remsi %scan3A_132, %rem3A_137 : i32
      %mul3A_139 = arith.constant 16 : i32
      %mul3A_140 = arith.muli %rem3A_138, %mul3A_139 : i32
      %get3A_141 = arith.index_cast %add3A_136 : i32 to index
      %get3A_142 = arith.index_cast %mul3A_140 : i32 to index
      %get3A_143 = tpu.vector_load %arg6[%get3A_141, %get3A_142] {strides = array<i32>} : memref<200x128xi32, #tpu.memory_space<vmem>>, vector<16xi32>,
      %mul3A_144 = arith.constant 16 : i32
      %mul3A_145 = arith.muli %scan3A_132, %mul3A_144 : i32
      %swap3A_146 = arith.index_cast %mul3A_145 : i32 to index
      %swap3A_147 = tpu.vector_load %arg12[%swap3A_146] {strides = array<i32>} : memref<256xi32, #tpu.memory_space<vmem>>, vector<16xi32>,
      tpu.vector_store %arg12[%swap3A_146], %get3A_143 {strides = array<i32>} : memref<256xi32, #tpu.memory_space<vmem>>, vector<16xi32>,
    }
    %scan3A_20 = arith.constant 16 : i32
    %dma_start3A_21 = arith.constant 0 : i32
    %dma_start3A_22 = arith.constant 0 : i32
    %dma_start3A_23 = tpu.memref_slice %arg3[%dma_start3A_21, %dma_start3A_22] : memref<1000000x32xf32, #tpu.memory_space<hbm>> -> memref<1000000x32xf32, #tpu.memory_space<hbm>>
    tpu.enqueue_indirect_dma source(%dma_start3A_23 : memref<1000000x32xf32, #tpu.memory_space<hbm>>) target(%arg8 : memref<256x32xf32, #tpu.memory_space<vmem>>) offsets(%arg12 : memref<256xi32, #tpu.memory_space<vmem>>) semaphore(%arg15 : memref<!tpu.dma_semaphore, #tpu.memory_space<semaphore_mem>>)
    %scan3A_24 = arith.constant 0 : i32
    %scan3A_25 = arith.constant 0 : i32
    %scan3A_26 = arith.constant 16 : i32
    %scan3A_27 = arith.addi %scan3A_25, %scan3A_26 : i32
    %scan3A_28 = arith.constant 4 : i32
    scf.for %scan3A_83 = %scan3A_25 to %scan3A_27 step %scan3A_28  : i32 {
      %shift_right_logical3A_84 = arith.constant 3 : i32
      %shift_right_logical3A_85 = arith.shrui %scan3A_83, %shift_right_logical3A_84 : i32
      %add3A_86 = arith.constant 2 : i32
      %add3A_87 = arith.addi %add3A_86, %shift_right_logical3A_85 : i32
      %rem3A_88 = arith.constant 8 : i32
      %rem3A_89 = arith.remsi %scan3A_83, %rem3A_88 : i32
      %mul3A_90 = arith.constant 16 : i32
      %mul3A_91 = arith.muli %rem3A_89, %mul3A_90 : i32
      %get3A = arith.index_cast %add3A_87 : i32 to index
      %get3A_92 = arith.index_cast %mul3A_91 : i32 to index
      %get3A_93 = tpu.vector_load %arg6[%get3A, %get3A_92] {strides = array<i32>} : memref<200x128xi32, #tpu.memory_space<vmem>>, vector<16xi32>,
      %mul3A_94 = arith.constant 16 : i32
      %mul3A_95 = arith.muli %scan3A_83, %mul3A_94 : i32
      %swap3A = arith.index_cast %mul3A_95 : i32 to index
      %swap3A_96 = tpu.vector_load %arg13[%swap3A] {strides = array<i32>} : memref<256xi32, #tpu.memory_space<vmem>>, vector<16xi32>,
      tpu.vector_store %arg13[%swap3A], %get3A_93 {strides = array<i32>} : memref<256xi32, #tpu.memory_space<vmem>>, vector<16xi32>,
      %scan3A_97 = arith.constant 1 : i32
      %scan3A_98 = arith.addi %scan3A_83, %scan3A_97 : i32
      %shift_right_logical3A_99 = arith.constant 3 : i32
      %shift_right_logical3A_100 = arith.shrui %scan3A_98, %shift_right_logical3A_99 : i32
      %add3A_101 = arith.constant 2 : i32
      %add3A_102 = arith.addi %add3A_101, %shift_right_logical3A_100 : i32
      %rem3A_103 = arith.constant 8 : i32
      %rem3A_104 = arith.remsi %scan3A_98, %rem3A_103 : i32
      %mul3A_105 = arith.constant 16 : i32
      %mul3A_106 = arith.muli %rem3A_104, %mul3A_105 : i32
      %get3A_107 = arith.index_cast %add3A_102 : i32 to index
      %get3A_108 = arith.index_cast %mul3A_106 : i32 to index
      %get3A_109 = tpu.vector_load %arg6[%get3A_107, %get3A_108] {strides = array<i32>} : memref<200x128xi32, #tpu.memory_space<vmem>>, vector<16xi32>,
      %mul3A_110 = arith.constant 16 : i32
      %mul3A_111 = arith.muli %scan3A_98, %mul3A_110 : i32
      %swap3A_112 = arith.index_cast %mul3A_111 : i32 to index
      %swap3A_113 = tpu.vector_load %arg13[%swap3A_112] {strides = array<i32>} : memref<256xi32, #tpu.memory_space<vmem>>, vector<16xi32>,
      tpu.vector_store %arg13[%swap3A_112], %get3A_109 {strides = array<i32>} : memref<256xi32, #tpu.memory_space<vmem>>, vector<16xi32>,
      %scan3A_114 = arith.constant 2 : i32
      %scan3A_115 = arith.addi %scan3A_83, %scan3A_114 : i32
      %shift_right_logical3A_116 = arith.constant 3 : i32
      %shift_right_logical3A_117 = arith.shrui %scan3A_115, %shift_right_logical3A_116 : i32
      %add3A_118 = arith.constant 2 : i32
      %add3A_119 = arith.addi %add3A_118, %shift_right_logical3A_117 : i32
      %rem3A_120 = arith.constant 8 : i32
      %rem3A_121 = arith.remsi %scan3A_115, %rem3A_120 : i32
      %mul3A_122 = arith.constant 16 : i32
      %mul3A_123 = arith.muli %rem3A_121, %mul3A_122 : i32
      %get3A_124 = arith.index_cast %add3A_119 : i32 to index
      %get3A_125 = arith.index_cast %mul3A_123 : i32 to index
      %get3A_126 = tpu.vector_load %arg6[%get3A_124, %get3A_125] {strides = array<i32>} : memref<200x128xi32, #tpu.memory_space<vmem>>, vector<16xi32>,
      %mul3A_127 = arith.constant 16 : i32
      %mul3A_128 = arith.muli %scan3A_115, %mul3A_127 : i32
      %swap3A_129 = arith.index_cast %mul3A_128 : i32 to index
      %swap3A_130 = tpu.vector_load %arg13[%swap3A_129] {strides = array<i32>} : memref<256xi32, #tpu.memory_space<vmem>>, vector<16xi32>,
      tpu.vector_store %arg13[%swap3A_129], %get3A_126 {strides = array<i32>} : memref<256xi32, #tpu.memory_space<vmem>>, vector<16xi32>,
      %scan3A_131 = arith.constant 3 : i32
      %scan3A_132 = arith.addi %scan3A_83, %scan3A_131 : i32
      %shift_right_logical3A_133 = arith.constant 3 : i32
      %shift_right_logical3A_134 = arith.shrui %scan3A_132, %shift_right_logical3A_133 : i32
      %add3A_135 = arith.constant 2 : i32
      %add3A_136 = arith.addi %add3A_135, %shift_right_logical3A_134 : i32
      %rem3A_137 = arith.constant 8 : i32
      %rem3A_138 = arith.remsi %scan3A_132, %rem3A_137 : i32
      %mul3A_139 = arith.constant 16 : i32
      %mul3A_140 = arith.muli %rem3A_138, %mul3A_139 : i32
      %get3A_141 = arith.index_cast %add3A_136 : i32 to index
      %get3A_142 = arith.index_cast %mul3A_140 : i32 to index
      %get3A_143 = tpu.vector_load %arg6[%get3A_141, %get3A_142] {strides = array<i32>} : memref<200x128xi32, #tpu.memory_space<vmem>>, vector<16xi32>,
      %mul3A_144 = arith.constant 16 : i32
      %mul3A_145 = arith.muli %scan3A_132, %mul3A_144 : i32
      %swap3A_146 = arith.index_cast %mul3A_145 : i32 to index
      %swap3A_147 = tpu.vector_load %arg13[%swap3A_146] {strides = array<i32>} : memref<256xi32, #tpu.memory_space<vmem>>, vector<16xi32>,
      tpu.vector_store %arg13[%swap3A_146], %get3A_143 {strides = array<i32>} : memref<256xi32, #tpu.memory_space<vmem>>, vector<16xi32>,
    }
    %scan3A_29 = arith.constant 16 : i32
    %dma_start3A_30 = arith.constant 0 : i32
    %dma_start3A_31 = arith.constant 0 : i32
    %dma_start3A_32 = tpu.memref_slice %arg3[%dma_start3A_30, %dma_start3A_31] : memref<1000000x32xf32, #tpu.memory_space<hbm>> -> memref<1000000x32xf32, #tpu.memory_space<hbm>>
    tpu.enqueue_indirect_dma source(%dma_start3A_32 : memref<1000000x32xf32, #tpu.memory_space<hbm>>) target(%arg9 : memref<256x32xf32, #tpu.memory_space<vmem>>) offsets(%arg13 : memref<256xi32, #tpu.memory_space<vmem>>) semaphore(%arg16 : memref<!tpu.dma_semaphore, #tpu.memory_space<semaphore_mem>>)
    %scan3A_33 = arith.constant 0 : i32
    %scan3A_34 = arith.constant 0 : i32
    %scan3A_35 = arith.constant 50 : i32
    %scan3A_36 = arith.addi %scan3A_34, %scan3A_35 : i32
    %scan3A_37 = arith.constant 1 : i32
    scf.for %scan3A_83 = %scan3A_34 to %scan3A_36 step %scan3A_37  : i32 {
      %mul3A_84 = arith.constant 2 : i32
      %mul3A_85 = arith.muli %scan3A_83, %mul3A_84 : i32
      %add3A_86 = arith.constant 0 : i32
      %add3A_87 = arith.addi %mul3A_85, %add3A_86 : i32
      %dma_wait3A_88 = arith.constant 0 : i32
      %dma_wait3A_89 = arith.constant 0 : i32
      %dma_wait3A_90 = tpu.memref_slice %arg3[%dma_wait3A_88, %dma_wait3A_89] : memref<1000000x32xf32, #tpu.memory_space<hbm>> -> memref<1000000x32xf32, #tpu.memory_space<hbm>>
      tpu.wait_indirect_dma semaphore(%arg15 : memref<!tpu.dma_semaphore, #tpu.memory_space<semaphore_mem>>) src(%dma_wait3A_90 : memref<1000000x32xf32, #tpu.memory_space<hbm>>) dst(%arg8 : memref<256x32xf32, #tpu.memory_space<vmem>>)
      %gt3A = arith.constant 0 : i32
      %gt3A_91 = arith.cmpi sgt, %scan3A_83, %gt3A : i32
      %convert_element_type3A = arith.extui %gt3A_91 : i1 to i32
      %cond3A = arith.constant 0 : i32
      %cond3A_92 = arith.cmpi ne, %convert_element_type3A, %cond3A : i32
      scf.if %cond3A_92 {
        %sub3A = arith.constant 2 : i32
        %sub3A_228 = arith.subi %add3A_87, %sub3A : i32
        %mul3A_229 = arith.constant 2 : i32
        %mul3A_230 = arith.muli %sub3A_228, %mul3A_229 : i32
        %dma_wait3A_231 = arith.constant 0 : i32
        %dma_wait3A_232 = arith.constant 0 : i32
        %dma_wait3A_233 = arith.constant 0 : i32
        %dma_wait3A_234 = arith.constant 0 : i32
        %dma_wait3A_235 = tpu.memref_slice %arg10[%dma_wait3A_231, %dma_wait3A_232, %dma_wait3A_233, %dma_wait3A_234] : memref<2x4x8x129xf32, #tpu.memory_space<vmem>> -> memref<2x4x8x128xf32, #tpu.memory_space<vmem>>
        %dma_wait3A_236 = arith.constant 0 : i32
        %dma_wait3A_237 = arith.constant 0 : i32
        %dma_wait3A_238 = arith.constant 0 : i32
        %dma_wait3A_239 = tpu.memref_slice %arg5[%mul3A_230, %dma_wait3A_236, %add3A, %dma_wait3A_237, %dma_wait3A_238] : memref<200x4x32x8x128xf32, #tpu.memory_space<hbm>> -> memref<2x4x1x8x128xf32, #tpu.memory_space<hbm>>
        %dma_wait3A_240 = tpu.memref_squeeze %dma_wait3A_239 : memref<2x4x1x8x128xf32, #tpu.memory_space<hbm>> -> memref<2x4x8x128xf32, #tpu.memory_space<hbm>>
        %dma_wait3A_241 = arith.constant 0 : i32
        %dma_wait3A_242 = arith.constant 0 : i32
        %dma_wait3A_243 = arith.constant 0 : i32
        %dma_wait3A_244 = tpu.memref_slice %arg5[%mul3A_230, %dma_wait3A_241, %add3A, %dma_wait3A_242, %dma_wait3A_243] : memref<200x4x32x8x128xf32, #tpu.memory_space<hbm>> -> memref<2x4x1x8x128xf32, #tpu.memory_space<hbm>>
        %dma_wait3A_245 = tpu.memref_squeeze %dma_wait3A_244 : memref<2x4x1x8x128xf32, #tpu.memory_space<hbm>> -> memref<2x4x8x128xf32, #tpu.memory_space<hbm>>
        %dma_wait3A_246 = arith.constant 0 : i32
        %dma_wait3A_247 = arith.constant 0 : i32
        %dma_wait3A_248 = arith.constant 0 : i32
        %dma_wait3A_249 = arith.constant 0 : i32
        %dma_wait3A_250 = tpu.memref_slice %arg10[%dma_wait3A_246, %dma_wait3A_247, %dma_wait3A_248, %dma_wait3A_249] : memref<2x4x8x129xf32, #tpu.memory_space<vmem>> -> memref<2x4x8x128xf32, #tpu.memory_space<vmem>>
        tpu.wait_dma2 semaphore(%arg17 : memref<!tpu.dma_semaphore, #tpu.memory_space<semaphore_mem>>) src(%dma_wait3A_250 : memref<2x4x8x128xf32, #tpu.memory_space<vmem>>) dst(%dma_wait3A_245 : memref<2x4x8x128xf32, #tpu.memory_space<hbm>>)
      } else {
      }
      %mul3A_93 = arith.constant 2 : i32
      %mul3A_94 = arith.muli %add3A_87, %mul3A_93 : i32
      %add3A_95 = arith.constant 0 : i32
      %add3A_96 = arith.addi %mul3A_94, %add3A_95 : i32
      %get3A = arith.index_cast %add3A_96 : i32 to index
      %get3A_97 = arith.constant 0 : index
      %get3A_98 = tpu.vector_load %arg7[%get3A, %get3A_97] {strides = array<i32>} : memref<200x32xf32, #tpu.memory_space<vmem>>, vector<16xf32>,
      %get3A_99 = arith.index_cast %add3A_96 : i32 to index
      %get3A_100 = arith.constant 16 : index
      %get3A_101 = tpu.vector_load %arg7[%get3A_99, %get3A_100] {strides = array<i32>} : memref<200x32xf32, #tpu.memory_space<vmem>>, vector<16xf32>,
      %broadcast_in_dim3A = arith.constant 0 : i32
      %broadcast_in_dim3A_102 = vector.broadcast %broadcast_in_dim3A : i32 to vector<16xi32>
      %scan3A_103 = arith.constant 0 : i32
      %scan3A_104 = arith.constant 0 : i32
      %scan3A_105 = arith.constant 128 : i32
      %scan3A_106 = arith.addi %scan3A_104, %scan3A_105 : i32
      %scan3A_107 = arith.constant 8 : i32
      scf.for %scan3A_228 = %scan3A_104 to %scan3A_106 step %scan3A_107  : i32 {
        %add3A_229 = arith.constant 0 : i32
        %add3A_230 = arith.addi %add3A_229, %scan3A_228 : i32
        %broadcast_in_dim3A_231 = vector.broadcast %scan3A_228 : i32 to vector<16xi32>
        %get3A_232 = arith.index_cast %add3A_230 : i32 to index
        %get3A_233 = arith.constant 0 : index
        %get3A_234 = tpu.vector_load %arg8[%get3A_232, %get3A_233] {strides = array<i32>} : memref<256x32xf32, #tpu.memory_space<vmem>>, vector<16xf32>,
        %add3A_235 = arith.addf %get3A_234, %get3A_98 : vector<16xf32>
        tpu.vector_store_idx %arg10[%broadcast_in_dim3A_102, %shift_right_logical3A_10, %rem3A_12, %broadcast_in_dim3A_231], %add3A_235 : memref<2x4x8x129xf32, #tpu.memory_space<vmem>>[vector<16xi32>, vector<16xi32>, vector<16xi32>, vector<16xi32>], vector<16xf32>,
        %get3A_236 = arith.index_cast %add3A_230 : i32 to index
        %get3A_237 = arith.constant 16 : index
        %get3A_238 = tpu.vector_load %arg8[%get3A_236, %get3A_237] {strides = array<i32>} : memref<256x32xf32, #tpu.memory_space<vmem>>, vector<16xf32>,
        %add3A_239 = arith.addf %get3A_238, %get3A_101 : vector<16xf32>
        tpu.vector_store_idx %arg10[%broadcast_in_dim3A_102, %add3A_15, %rem3A_12, %broadcast_in_dim3A_231], %add3A_239 : memref<2x4x8x129xf32, #tpu.memory_space<vmem>>[vector<16xi32>, vector<16xi32>, vector<16xi32>, vector<16xi32>], vector<16xf32>,
        %scan3A_240 = arith.constant 1 : i32
        %scan3A_241 = arith.addi %scan3A_228, %scan3A_240 : i32
        %add3A_242 = arith.constant 0 : i32
        %add3A_243 = arith.addi %add3A_242, %scan3A_241 : i32
        %broadcast_in_dim3A_244 = vector.broadcast %scan3A_241 : i32 to vector<16xi32>
        %get3A_245 = arith.index_cast %add3A_243 : i32 to index
        %get3A_246 = arith.constant 0 : index
        %get3A_247 = tpu.vector_load %arg8[%get3A_245, %get3A_246] {strides = array<i32>} : memref<256x32xf32, #tpu.memory_space<vmem>>, vector<16xf32>,
        %add3A_248 = arith.addf %get3A_247, %get3A_98 : vector<16xf32>
        tpu.vector_store_idx %arg10[%broadcast_in_dim3A_102, %shift_right_logical3A_10, %rem3A_12, %broadcast_in_dim3A_244], %add3A_248 : memref<2x4x8x129xf32, #tpu.memory_space<vmem>>[vector<16xi32>, vector<16xi32>, vector<16xi32>, vector<16xi32>], vector<16xf32>,
        %get3A_249 = arith.index_cast %add3A_243 : i32 to index
        %get3A_250 = arith.constant 16 : index
        %get3A_251 = tpu.vector_load %arg8[%get3A_249, %get3A_250] {strides = array<i32>} : memref<256x32xf32, #tpu.memory_space<vmem>>, vector<16xf32>,
        %add3A_252 = arith.addf %get3A_251, %get3A_101 : vector<16xf32>
        tpu.vector_store_idx %arg10[%broadcast_in_dim3A_102, %add3A_15, %rem3A_12, %broadcast_in_dim3A_244], %add3A_252 : memref<2x4x8x129xf32, #tpu.memory_space<vmem>>[vector<16xi32>, vector<16xi32>, vector<16xi32>, vector<16xi32>], vector<16xf32>,
        %scan3A_253 = arith.constant 2 : i32
        %scan3A_254 = arith.addi %scan3A_228, %scan3A_253 : i32
        %add3A_255 = arith.constant 0 : i32
        %add3A_256 = arith.addi %add3A_255, %scan3A_254 : i32
        %broadcast_in_dim3A_257 = vector.broadcast %scan3A_254 : i32 to vector<16xi32>
        %get3A_258 = arith.index_cast %add3A_256 : i32 to index
        %get3A_259 = arith.constant 0 : index
        %get3A_260 = tpu.vector_load %arg8[%get3A_258, %get3A_259] {strides = array<i32>} : memref<256x32xf32, #tpu.memory_space<vmem>>, vector<16xf32>,
        %add3A_261 = arith.addf %get3A_260, %get3A_98 : vector<16xf32>
        tpu.vector_store_idx %arg10[%broadcast_in_dim3A_102, %shift_right_logical3A_10, %rem3A_12, %broadcast_in_dim3A_257], %add3A_261 : memref<2x4x8x129xf32, #tpu.memory_space<vmem>>[vector<16xi32>, vector<16xi32>, vector<16xi32>, vector<16xi32>], vector<16xf32>,
        %get3A_262 = arith.index_cast %add3A_256 : i32 to index
        %get3A_263 = arith.constant 16 : index
        %get3A_264 = tpu.vector_load %arg8[%get3A_262, %get3A_263] {strides = array<i32>} : memref<256x32xf32, #tpu.memory_space<vmem>>, vector<16xf32>,
        %add3A_265 = arith.addf %get3A_264, %get3A_101 : vector<16xf32>
        tpu.vector_store_idx %arg10[%broadcast_in_dim3A_102, %add3A_15, %rem3A_12, %broadcast_in_dim3A_257], %add3A_265 : memref<2x4x8x129xf32, #tpu.memory_space<vmem>>[vector<16xi32>, vector<16xi32>, vector<16xi32>, vector<16xi32>], vector<16xf32>,
        %scan3A_266 = arith.constant 3 : i32
        %scan3A_267 = arith.addi %scan3A_228, %scan3A_266 : i32
        %add3A_268 = arith.constant 0 : i32
        %add3A_269 = arith.addi %add3A_268, %scan3A_267 : i32
        %broadcast_in_dim3A_270 = vector.broadcast %scan3A_267 : i32 to vector<16xi32>
        %get3A_271 = arith.index_cast %add3A_269 : i32 to index
        %get3A_272 = arith.constant 0 : index
        %get3A_273 = tpu.vector_load %arg8[%get3A_271, %get3A_272] {strides = array<i32>} : memref<256x32xf32, #tpu.memory_space<vmem>>, vector<16xf32>,
        %add3A_274 = arith.addf %get3A_273, %get3A_98 : vector<16xf32>
        tpu.vector_store_idx %arg10[%broadcast_in_dim3A_102, %shift_right_logical3A_10, %rem3A_12, %broadcast_in_dim3A_270], %add3A_274 : memref<2x4x8x129xf32, #tpu.memory_space<vmem>>[vector<16xi32>, vector<16xi32>, vector<16xi32>, vector<16xi32>], vector<16xf32>,
        %get3A_275 = arith.index_cast %add3A_269 : i32 to index
        %get3A_276 = arith.constant 16 : index
        %get3A_277 = tpu.vector_load %arg8[%get3A_275, %get3A_276] {strides = array<i32>} : memref<256x32xf32, #tpu.memory_space<vmem>>, vector<16xf32>,
        %add3A_278 = arith.addf %get3A_277, %get3A_101 : vector<16xf32>
        tpu.vector_store_idx %arg10[%broadcast_in_dim3A_102, %add3A_15, %rem3A_12, %broadcast_in_dim3A_270], %add3A_278 : memref<2x4x8x129xf32, #tpu.memory_space<vmem>>[vector<16xi32>, vector<16xi32>, vector<16xi32>, vector<16xi32>], vector<16xf32>,
        %scan3A_279 = arith.constant 4 : i32
        %scan3A_280 = arith.addi %scan3A_228, %scan3A_279 : i32
        %add3A_281 = arith.constant 0 : i32
        %add3A_282 = arith.addi %add3A_281, %scan3A_280 : i32
        %broadcast_in_dim3A_283 = vector.broadcast %scan3A_280 : i32 to vector<16xi32>
        %get3A_284 = arith.index_cast %add3A_282 : i32 to index
        %get3A_285 = arith.constant 0 : index
        %get3A_286 = tpu.vector_load %arg8[%get3A_284, %get3A_285] {strides = array<i32>} : memref<256x32xf32, #tpu.memory_space<vmem>>, vector<16xf32>,
        %add3A_287 = arith.addf %get3A_286, %get3A_98 : vector<16xf32>
        tpu.vector_store_idx %arg10[%broadcast_in_dim3A_102, %shift_right_logical3A_10, %rem3A_12, %broadcast_in_dim3A_283], %add3A_287 : memref<2x4x8x129xf32, #tpu.memory_space<vmem>>[vector<16xi32>, vector<16xi32>, vector<16xi32>, vector<16xi32>], vector<16xf32>,
        %get3A_288 = arith.index_cast %add3A_282 : i32 to index
        %get3A_289 = arith.constant 16 : index
        %get3A_290 = tpu.vector_load %arg8[%get3A_288, %get3A_289] {strides = array<i32>} : memref<256x32xf32, #tpu.memory_space<vmem>>, vector<16xf32>,
        %add3A_291 = arith.addf %get3A_290, %get3A_101 : vector<16xf32>
        tpu.vector_store_idx %arg10[%broadcast_in_dim3A_102, %add3A_15, %rem3A_12, %broadcast_in_dim3A_283], %add3A_291 : memref<2x4x8x129xf32, #tpu.memory_space<vmem>>[vector<16xi32>, vector<16xi32>, vector<16xi32>, vector<16xi32>], vector<16xf32>,
        %scan3A_292 = arith.constant 5 : i32
        %scan3A_293 = arith.addi %scan3A_228, %scan3A_292 : i32
        %add3A_294 = arith.constant 0 : i32
        %add3A_295 = arith.addi %add3A_294, %scan3A_293 : i32
        %broadcast_in_dim3A_296 = vector.broadcast %scan3A_293 : i32 to vector<16xi32>
        %get3A_297 = arith.index_cast %add3A_295 : i32 to index
        %get3A_298 = arith.constant 0 : index
        %get3A_299 = tpu.vector_load %arg8[%get3A_297, %get3A_298] {strides = array<i32>} : memref<256x32xf32, #tpu.memory_space<vmem>>, vector<16xf32>,
        %add3A_300 = arith.addf %get3A_299, %get3A_98 : vector<16xf32>
        tpu.vector_store_idx %arg10[%broadcast_in_dim3A_102, %shift_right_logical3A_10, %rem3A_12, %broadcast_in_dim3A_296], %add3A_300 : memref<2x4x8x129xf32, #tpu.memory_space<vmem>>[vector<16xi32>, vector<16xi32>, vector<16xi32>, vector<16xi32>], vector<16xf32>,
        %get3A_301 = arith.index_cast %add3A_295 : i32 to index
        %get3A_302 = arith.constant 16 : index
        %get3A_303 = tpu.vector_load %arg8[%get3A_301, %get3A_302] {strides = array<i32>} : memref<256x32xf32, #tpu.memory_space<vmem>>, vector<16xf32>,
        %add3A_304 = arith.addf %get3A_303, %get3A_101 : vector<16xf32>
        tpu.vector_store_idx %arg10[%broadcast_in_dim3A_102, %add3A_15, %rem3A_12, %broadcast_in_dim3A_296], %add3A_304 : memref<2x4x8x129xf32, #tpu.memory_space<vmem>>[vector<16xi32>, vector<16xi32>, vector<16xi32>, vector<16xi32>], vector<16xf32>,
        %scan3A_305 = arith.constant 6 : i32
        %scan3A_306 = arith.addi %scan3A_228, %scan3A_305 : i32
        %add3A_307 = arith.constant 0 : i32
        %add3A_308 = arith.addi %add3A_307, %scan3A_306 : i32
        %broadcast_in_dim3A_309 = vector.broadcast %scan3A_306 : i32 to vector<16xi32>
        %get3A_310 = arith.index_cast %add3A_308 : i32 to index
        %get3A_311 = arith.constant 0 : index
        %get3A_312 = tpu.vector_load %arg8[%get3A_310, %get3A_311] {strides = array<i32>} : memref<256x32xf32, #tpu.memory_space<vmem>>, vector<16xf32>,
        %add3A_313 = arith.addf %get3A_312, %get3A_98 : vector<16xf32>
        tpu.vector_store_idx %arg10[%broadcast_in_dim3A_102, %shift_right_logical3A_10, %rem3A_12, %broadcast_in_dim3A_309], %add3A_313 : memref<2x4x8x129xf32, #tpu.memory_space<vmem>>[vector<16xi32>, vector<16xi32>, vector<16xi32>, vector<16xi32>], vector<16xf32>,
        %get3A_314 = arith.index_cast %add3A_308 : i32 to index
        %get3A_315 = arith.constant 16 : index
        %get3A_316 = tpu.vector_load %arg8[%get3A_314, %get3A_315] {strides = array<i32>} : memref<256x32xf32, #tpu.memory_space<vmem>>, vector<16xf32>,
        %add3A_317 = arith.addf %get3A_316, %get3A_101 : vector<16xf32>
        tpu.vector_store_idx %arg10[%broadcast_in_dim3A_102, %add3A_15, %rem3A_12, %broadcast_in_dim3A_309], %add3A_317 : memref<2x4x8x129xf32, #tpu.memory_space<vmem>>[vector<16xi32>, vector<16xi32>, vector<16xi32>, vector<16xi32>], vector<16xf32>,
        %scan3A_318 = arith.constant 7 : i32
        %scan3A_319 = arith.addi %scan3A_228, %scan3A_318 : i32
        %add3A_320 = arith.constant 0 : i32
        %add3A_321 = arith.addi %add3A_320, %scan3A_319 : i32
        %broadcast_in_dim3A_322 = vector.broadcast %scan3A_319 : i32 to vector<16xi32>
        %get3A_323 = arith.index_cast %add3A_321 : i32 to index
        %get3A_324 = arith.constant 0 : index
        %get3A_325 = tpu.vector_load %arg8[%get3A_323, %get3A_324] {strides = array<i32>} : memref<256x32xf32, #tpu.memory_space<vmem>>, vector<16xf32>,
        %add3A_326 = arith.addf %get3A_325, %get3A_98 : vector<16xf32>
        tpu.vector_store_idx %arg10[%broadcast_in_dim3A_102, %shift_right_logical3A_10, %rem3A_12, %broadcast_in_dim3A_322], %add3A_326 : memref<2x4x8x129xf32, #tpu.memory_space<vmem>>[vector<16xi32>, vector<16xi32>, vector<16xi32>, vector<16xi32>], vector<16xf32>,
        %get3A_327 = arith.index_cast %add3A_321 : i32 to index
        %get3A_328 = arith.constant 16 : index
        %get3A_329 = tpu.vector_load %arg8[%get3A_327, %get3A_328] {strides = array<i32>} : memref<256x32xf32, #tpu.memory_space<vmem>>, vector<16xf32>,
        %add3A_330 = arith.addf %get3A_329, %get3A_101 : vector<16xf32>
        tpu.vector_store_idx %arg10[%broadcast_in_dim3A_102, %add3A_15, %rem3A_12, %broadcast_in_dim3A_322], %add3A_330 : memref<2x4x8x129xf32, #tpu.memory_space<vmem>>[vector<16xi32>, vector<16xi32>, vector<16xi32>, vector<16xi32>], vector<16xf32>,
      }
      %scan3A_108 = arith.constant 128 : i32
      %mul3A_109 = arith.constant 2 : i32
      %mul3A_110 = arith.muli %add3A_87, %mul3A_109 : i32
      %add3A_111 = arith.constant 1 : i32
      %add3A_112 = arith.addi %mul3A_110, %add3A_111 : i32
      %get3A_113 = arith.index_cast %add3A_112 : i32 to index
      %get3A_114 = arith.constant 0 : index
      %get3A_115 = tpu.vector_load %arg7[%get3A_113, %get3A_114] {strides = array<i32>} : memref<200x32xf32, #tpu.memory_space<vmem>>, vector<16xf32>,
      %get3A_116 = arith.index_cast %add3A_112 : i32 to index
      %get3A_117 = arith.constant 16 : index
      %get3A_118 = tpu.vector_load %arg7[%get3A_116, %get3A_117] {strides = array<i32>} : memref<200x32xf32, #tpu.memory_space<vmem>>, vector<16xf32>,
      %broadcast_in_dim3A_119 = arith.constant 1 : i32
      %broadcast_in_dim3A_120 = vector.broadcast %broadcast_in_dim3A_119 : i32 to vector<16xi32>
      %scan3A_121 = arith.constant 0 : i32
      %scan3A_122 = arith.constant 0 : i32
      %scan3A_123 = arith.constant 128 : i32
      %scan3A_124 = arith.addi %scan3A_122, %scan3A_123 : i32
      %scan3A_125 = arith.constant 8 : i32
      scf.for %scan3A_228 = %scan3A_122 to %scan3A_124 step %scan3A_125  : i32 {
        %add3A_229 = arith.constant 128 : i32
        %add3A_230 = arith.addi %add3A_229, %scan3A_228 : i32
        %broadcast_in_dim3A_231 = vector.broadcast %scan3A_228 : i32 to vector<16xi32>
        %get3A_232 = arith.index_cast %add3A_230 : i32 to index
        %get3A_233 = arith.constant 0 : index
        %get3A_234 = tpu.vector_load %arg8[%get3A_232, %get3A_233] {strides = array<i32>} : memref<256x32xf32, #tpu.memory_space<vmem>>, vector<16xf32>,
        %add3A_235 = arith.addf %get3A_234, %get3A_115 : vector<16xf32>
        tpu.vector_store_idx %arg10[%broadcast_in_dim3A_120, %shift_right_logical3A_10, %rem3A_12, %broadcast_in_dim3A_231], %add3A_235 : memref<2x4x8x129xf32, #tpu.memory_space<vmem>>[vector<16xi32>, vector<16xi32>, vector<16xi32>, vector<16xi32>], vector<16xf32>,
        %get3A_236 = arith.index_cast %add3A_230 : i32 to index
        %get3A_237 = arith.constant 16 : index
        %get3A_238 = tpu.vector_load %arg8[%get3A_236, %get3A_237] {strides = array<i32>} : memref<256x32xf32, #tpu.memory_space<vmem>>, vector<16xf32>,
        %add3A_239 = arith.addf %get3A_238, %get3A_118 : vector<16xf32>
        tpu.vector_store_idx %arg10[%broadcast_in_dim3A_120, %add3A_15, %rem3A_12, %broadcast_in_dim3A_231], %add3A_239 : memref<2x4x8x129xf32, #tpu.memory_space<vmem>>[vector<16xi32>, vector<16xi32>, vector<16xi32>, vector<16xi32>], vector<16xf32>,
        %scan3A_240 = arith.constant 1 : i32
        %scan3A_241 = arith.addi %scan3A_228, %scan3A_240 : i32
        %add3A_242 = arith.constant 128 : i32
        %add3A_243 = arith.addi %add3A_242, %scan3A_241 : i32
        %broadcast_in_dim3A_244 = vector.broadcast %scan3A_241 : i32 to vector<16xi32>
        %get3A_245 = arith.index_cast %add3A_243 : i32 to index
        %get3A_246 = arith.constant 0 : index
        %get3A_247 = tpu.vector_load %arg8[%get3A_245, %get3A_246] {strides = array<i32>} : memref<256x32xf32, #tpu.memory_space<vmem>>, vector<16xf32>,
        %add3A_248 = arith.addf %get3A_247, %get3A_115 : vector<16xf32>
        tpu.vector_store_idx %arg10[%broadcast_in_dim3A_120, %shift_right_logical3A_10, %rem3A_12, %broadcast_in_dim3A_244], %add3A_248 : memref<2x4x8x129xf32, #tpu.memory_space<vmem>>[vector<16xi32>, vector<16xi32>, vector<16xi32>, vector<16xi32>], vector<16xf32>,
        %get3A_249 = arith.index_cast %add3A_243 : i32 to index
        %get3A_250 = arith.constant 16 : index
        %get3A_251 = tpu.vector_load %arg8[%get3A_249, %get3A_250] {strides = array<i32>} : memref<256x32xf32, #tpu.memory_space<vmem>>, vector<16xf32>,
        %add3A_252 = arith.addf %get3A_251, %get3A_118 : vector<16xf32>
        tpu.vector_store_idx %arg10[%broadcast_in_dim3A_120, %add3A_15, %rem3A_12, %broadcast_in_dim3A_244], %add3A_252 : memref<2x4x8x129xf32, #tpu.memory_space<vmem>>[vector<16xi32>, vector<16xi32>, vector<16xi32>, vector<16xi32>], vector<16xf32>,
        %scan3A_253 = arith.constant 2 : i32
        %scan3A_254 = arith.addi %scan3A_228, %scan3A_253 : i32
        %add3A_255 = arith.constant 128 : i32
        %add3A_256 = arith.addi %add3A_255, %scan3A_254 : i32
        %broadcast_in_dim3A_257 = vector.broadcast %scan3A_254 : i32 to vector<16xi32>
        %get3A_258 = arith.index_cast %add3A_256 : i32 to index
        %get3A_259 = arith.constant 0 : index
        %get3A_260 = tpu.vector_load %arg8[%get3A_258, %get3A_259] {strides = array<i32>} : memref<256x32xf32, #tpu.memory_space<vmem>>, vector<16xf32>,
        %add3A_261 = arith.addf %get3A_260, %get3A_115 : vector<16xf32>
        tpu.vector_store_idx %arg10[%broadcast_in_dim3A_120, %shift_right_logical3A_10, %rem3A_12, %broadcast_in_dim3A_257], %add3A_261 : memref<2x4x8x129xf32, #tpu.memory_space<vmem>>[vector<16xi32>, vector<16xi32>, vector<16xi32>, vector<16xi32>], vector<16xf32>,
        %get3A_262 = arith.index_cast %add3A_256 : i32 to index
        %get3A_263 = arith.constant 16 : index
        %get3A_264 = tpu.vector_load %arg8[%get3A_262, %get3A_263] {strides = array<i32>} : memref<256x32xf32, #tpu.memory_space<vmem>>, vector<16xf32>,
        %add3A_265 = arith.addf %get3A_264, %get3A_118 : vector<16xf32>
        tpu.vector_store_idx %arg10[%broadcast_in_dim3A_120, %add3A_15, %rem3A_12, %broadcast_in_dim3A_257], %add3A_265 : memref<2x4x8x129xf32, #tpu.memory_space<vmem>>[vector<16xi32>, vector<16xi32>, vector<16xi32>, vector<16xi32>], vector<16xf32>,
        %scan3A_266 = arith.constant 3 : i32
        %scan3A_267 = arith.addi %scan3A_228, %scan3A_266 : i32
        %add3A_268 = arith.constant 128 : i32
        %add3A_269 = arith.addi %add3A_268, %scan3A_267 : i32
        %broadcast_in_dim3A_270 = vector.broadcast %scan3A_267 : i32 to vector<16xi32>
        %get3A_271 = arith.index_cast %add3A_269 : i32 to index
        %get3A_272 = arith.constant 0 : index
        %get3A_273 = tpu.vector_load %arg8[%get3A_271, %get3A_272] {strides = array<i32>} : memref<256x32xf32, #tpu.memory_space<vmem>>, vector<16xf32>,
        %add3A_274 = arith.addf %get3A_273, %get3A_115 : vector<16xf32>
        tpu.vector_store_idx %arg10[%broadcast_in_dim3A_120, %shift_right_logical3A_10, %rem3A_12, %broadcast_in_dim3A_270], %add3A_274 : memref<2x4x8x129xf32, #tpu.memory_space<vmem>>[vector<16xi32>, vector<16xi32>, vector<16xi32>, vector<16xi32>], vector<16xf32>,
        %get3A_275 = arith.index_cast %add3A_269 : i32 to index
        %get3A_276 = arith.constant 16 : index
        %get3A_277 = tpu.vector_load %arg8[%get3A_275, %get3A_276] {strides = array<i32>} : memref<256x32xf32, #tpu.memory_space<vmem>>, vector<16xf32>,
        %add3A_278 = arith.addf %get3A_277, %get3A_118 : vector<16xf32>
        tpu.vector_store_idx %arg10[%broadcast_in_dim3A_120, %add3A_15, %rem3A_12, %broadcast_in_dim3A_270], %add3A_278 : memref<2x4x8x129xf32, #tpu.memory_space<vmem>>[vector<16xi32>, vector<16xi32>, vector<16xi32>, vector<16xi32>], vector<16xf32>,
        %scan3A_279 = arith.constant 4 : i32
        %scan3A_280 = arith.addi %scan3A_228, %scan3A_279 : i32
        %add3A_281 = arith.constant 128 : i32
        %add3A_282 = arith.addi %add3A_281, %scan3A_280 : i32
        %broadcast_in_dim3A_283 = vector.broadcast %scan3A_280 : i32 to vector<16xi32>
        %get3A_284 = arith.index_cast %add3A_282 : i32 to index
        %get3A_285 = arith.constant 0 : index
        %get3A_286 = tpu.vector_load %arg8[%get3A_284, %get3A_285] {strides = array<i32>} : memref<256x32xf32, #tpu.memory_space<vmem>>, vector<16xf32>,
        %add3A_287 = arith.addf %get3A_286, %get3A_115 : vector<16xf32>
        tpu.vector_store_idx %arg10[%broadcast_in_dim3A_120, %shift_right_logical3A_10, %rem3A_12, %broadcast_in_dim3A_283], %add3A_287 : memref<2x4x8x129xf32, #tpu.memory_space<vmem>>[vector<16xi32>, vector<16xi32>, vector<16xi32>, vector<16xi32>], vector<16xf32>,
        %get3A_288 = arith.index_cast %add3A_282 : i32 to index
        %get3A_289 = arith.constant 16 : index
        %get3A_290 = tpu.vector_load %arg8[%get3A_288, %get3A_289] {strides = array<i32>} : memref<256x32xf32, #tpu.memory_space<vmem>>, vector<16xf32>,
        %add3A_291 = arith.addf %get3A_290, %get3A_118 : vector<16xf32>
        tpu.vector_store_idx %arg10[%broadcast_in_dim3A_120, %add3A_15, %rem3A_12, %broadcast_in_dim3A_283], %add3A_291 : memref<2x4x8x129xf32, #tpu.memory_space<vmem>>[vector<16xi32>, vector<16xi32>, vector<16xi32>, vector<16xi32>], vector<16xf32>,
        %scan3A_292 = arith.constant 5 : i32
        %scan3A_293 = arith.addi %scan3A_228, %scan3A_292 : i32
        %add3A_294 = arith.constant 128 : i32
        %add3A_295 = arith.addi %add3A_294, %scan3A_293 : i32
        %broadcast_in_dim3A_296 = vector.broadcast %scan3A_293 : i32 to vector<16xi32>
        %get3A_297 = arith.index_cast %add3A_295 : i32 to index
        %get3A_298 = arith.constant 0 : index
        %get3A_299 = tpu.vector_load %arg8[%get3A_297, %get3A_298] {strides = array<i32>} : memref<256x32xf32, #tpu.memory_space<vmem>>, vector<16xf32>,
        %add3A_300 = arith.addf %get3A_299, %get3A_115 : vector<16xf32>
        tpu.vector_store_idx %arg10[%broadcast_in_dim3A_120, %shift_right_logical3A_10, %rem3A_12, %broadcast_in_dim3A_296], %add3A_300 : memref<2x4x8x129xf32, #tpu.memory_space<vmem>>[vector<16xi32>, vector<16xi32>, vector<16xi32>, vector<16xi32>], vector<16xf32>,
        %get3A_301 = arith.index_cast %add3A_295 : i32 to index
        %get3A_302 = arith.constant 16 : index
        %get3A_303 = tpu.vector_load %arg8[%get3A_301, %get3A_302] {strides = array<i32>} : memref<256x32xf32, #tpu.memory_space<vmem>>, vector<16xf32>,
        %add3A_304 = arith.addf %get3A_303, %get3A_118 : vector<16xf32>
        tpu.vector_store_idx %arg10[%broadcast_in_dim3A_120, %add3A_15, %rem3A_12, %broadcast_in_dim3A_296], %add3A_304 : memref<2x4x8x129xf32, #tpu.memory_space<vmem>>[vector<16xi32>, vector<16xi32>, vector<16xi32>, vector<16xi32>], vector<16xf32>,
        %scan3A_305 = arith.constant 6 : i32
        %scan3A_306 = arith.addi %scan3A_228, %scan3A_305 : i32
        %add3A_307 = arith.constant 128 : i32
        %add3A_308 = arith.addi %add3A_307, %scan3A_306 : i32
        %broadcast_in_dim3A_309 = vector.broadcast %scan3A_306 : i32 to vector<16xi32>
        %get3A_310 = arith.index_cast %add3A_308 : i32 to index
        %get3A_311 = arith.constant 0 : index
        %get3A_312 = tpu.vector_load %arg8[%get3A_310, %get3A_311] {strides = array<i32>} : memref<256x32xf32, #tpu.memory_space<vmem>>, vector<16xf32>,
        %add3A_313 = arith.addf %get3A_312, %get3A_115 : vector<16xf32>
        tpu.vector_store_idx %arg10[%broadcast_in_dim3A_120, %shift_right_logical3A_10, %rem3A_12, %broadcast_in_dim3A_309], %add3A_313 : memref<2x4x8x129xf32, #tpu.memory_space<vmem>>[vector<16xi32>, vector<16xi32>, vector<16xi32>, vector<16xi32>], vector<16xf32>,
        %get3A_314 = arith.index_cast %add3A_308 : i32 to index
        %get3A_315 = arith.constant 16 : index
        %get3A_316 = tpu.vector_load %arg8[%get3A_314, %get3A_315] {strides = array<i32>} : memref<256x32xf32, #tpu.memory_space<vmem>>, vector<16xf32>,
        %add3A_317 = arith.addf %get3A_316, %get3A_118 : vector<16xf32>
        tpu.vector_store_idx %arg10[%broadcast_in_dim3A_120, %add3A_15, %rem3A_12, %broadcast_in_dim3A_309], %add3A_317 : memref<2x4x8x129xf32, #tpu.memory_space<vmem>>[vector<16xi32>, vector<16xi32>, vector<16xi32>, vector<16xi32>], vector<16xf32>,
        %scan3A_318 = arith.constant 7 : i32
        %scan3A_319 = arith.addi %scan3A_228, %scan3A_318 : i32
        %add3A_320 = arith.constant 128 : i32
        %add3A_321 = arith.addi %add3A_320, %scan3A_319 : i32
        %broadcast_in_dim3A_322 = vector.broadcast %scan3A_319 : i32 to vector<16xi32>
        %get3A_323 = arith.index_cast %add3A_321 : i32 to index
        %get3A_324 = arith.constant 0 : index
        %get3A_325 = tpu.vector_load %arg8[%get3A_323, %get3A_324] {strides = array<i32>} : memref<256x32xf32, #tpu.memory_space<vmem>>, vector<16xf32>,
        %add3A_326 = arith.addf %get3A_325, %get3A_115 : vector<16xf32>
        tpu.vector_store_idx %arg10[%broadcast_in_dim3A_120, %shift_right_logical3A_10, %rem3A_12, %broadcast_in_dim3A_322], %add3A_326 : memref<2x4x8x129xf32, #tpu.memory_space<vmem>>[vector<16xi32>, vector<16xi32>, vector<16xi32>, vector<16xi32>], vector<16xf32>,
        %get3A_327 = arith.index_cast %add3A_321 : i32 to index
        %get3A_328 = arith.constant 16 : index
        %get3A_329 = tpu.vector_load %arg8[%get3A_327, %get3A_328] {strides = array<i32>} : memref<256x32xf32, #tpu.memory_space<vmem>>, vector<16xf32>,
        %add3A_330 = arith.addf %get3A_329, %get3A_118 : vector<16xf32>
        tpu.vector_store_idx %arg10[%broadcast_in_dim3A_120, %add3A_15, %rem3A_12, %broadcast_in_dim3A_322], %add3A_330 : memref<2x4x8x129xf32, #tpu.memory_space<vmem>>[vector<16xi32>, vector<16xi32>, vector<16xi32>, vector<16xi32>], vector<16xf32>,
      }
      %scan3A_126 = arith.constant 128 : i32
      %mul3A_127 = arith.constant 2 : i32
      %mul3A_128 = arith.muli %add3A_87, %mul3A_127 : i32
      %dma_start3A_129 = arith.constant 0 : i32
      %dma_start3A_130 = arith.constant 0 : i32
      %dma_start3A_131 = arith.constant 0 : i32
      %dma_start3A_132 = arith.constant 0 : i32
      %dma_start3A_133 = tpu.memref_slice %arg10[%dma_start3A_129, %dma_start3A_130, %dma_start3A_131, %dma_start3A_132] : memref<2x4x8x129xf32, #tpu.memory_space<vmem>> -> memref<2x4x8x128xf32, #tpu.memory_space<vmem>>
      %dma_start3A_134 = arith.constant 0 : i32
      %dma_start3A_135 = arith.constant 0 : i32
      %dma_start3A_136 = arith.constant 0 : i32
      %dma_start3A_137 = tpu.memref_slice %arg5[%mul3A_128, %dma_start3A_134, %add3A, %dma_start3A_135, %dma_start3A_136] : memref<200x4x32x8x128xf32, #tpu.memory_space<hbm>> -> memref<2x4x1x8x128xf32, #tpu.memory_space<hbm>>
      %dma_start3A_138 = tpu.memref_squeeze %dma_start3A_137 : memref<2x4x1x8x128xf32, #tpu.memory_space<hbm>> -> memref<2x4x8x128xf32, #tpu.memory_space<hbm>>
      %dma_start3A_139 = arith.constant 0 : i32
      %dma_start3A_140 = arith.constant 0 : i32
      %dma_start3A_141 = arith.constant 0 : i32
      %dma_start3A_142 = tpu.memref_slice %arg5[%mul3A_128, %dma_start3A_139, %add3A, %dma_start3A_140, %dma_start3A_141] : memref<200x4x32x8x128xf32, #tpu.memory_space<hbm>> -> memref<2x4x1x8x128xf32, #tpu.memory_space<hbm>>
      %dma_start3A_143 = tpu.memref_squeeze %dma_start3A_142 : memref<2x4x1x8x128xf32, #tpu.memory_space<hbm>> -> memref<2x4x8x128xf32, #tpu.memory_space<hbm>>
      %dma_start3A_144 = arith.constant 0 : i32
      %dma_start3A_145 = arith.constant 0 : i32
      %dma_start3A_146 = arith.constant 0 : i32
      %dma_start3A_147 = arith.constant 0 : i32
      %dma_start3A_148 = tpu.memref_slice %arg10[%dma_start3A_144, %dma_start3A_145, %dma_start3A_146, %dma_start3A_147] : memref<2x4x8x129xf32, #tpu.memory_space<vmem>> -> memref<2x4x8x128xf32, #tpu.memory_space<vmem>>
      tpu.enqueue_dma source(%dma_start3A_148 : memref<2x4x8x128xf32, #tpu.memory_space<vmem>>) target(%dma_start3A_143 : memref<2x4x8x128xf32, #tpu.memory_space<hbm>>) target_semaphore(%arg17 : memref<!tpu.dma_semaphore, #tpu.memory_space<semaphore_mem>>)
      %lt3A = arith.constant 49 : i32
      %lt3A_149 = arith.cmpi slt, %scan3A_83, %lt3A : i32
      %convert_element_type3A_150 = arith.extui %lt3A_149 : i1 to i32
      %cond3A_151 = arith.constant 0 : i32
      %cond3A_152 = arith.cmpi ne, %convert_element_type3A_150, %cond3A_151 : i32
      scf.if %cond3A_152 {
        %add3A_228 = arith.constant 2 : i32
        %add3A_229 = arith.addi %add3A_87, %add3A_228 : i32
        %scan3A_230 = arith.constant 0 : i32
        %scan3A_231 = arith.constant 0 : i32
        %scan3A_232 = arith.constant 16 : i32
        %scan3A_233 = arith.addi %scan3A_231, %scan3A_232 : i32
        %scan3A_234 = arith.constant 4 : i32
        scf.for %scan3A_239 = %scan3A_231 to %scan3A_233 step %scan3A_234  : i32 {
          %mul3A_240 = arith.constant 2 : i32
          %mul3A_241 = arith.muli %add3A_229, %mul3A_240 : i32
          %shift_right_logical3A_242 = arith.constant 3 : i32
          %shift_right_logical3A_243 = arith.shrui %scan3A_239, %shift_right_logical3A_242 : i32
          %add3A_244 = arith.addi %mul3A_241, %shift_right_logical3A_243 : i32
          %rem3A_245 = arith.constant 8 : i32
          %rem3A_246 = arith.remsi %scan3A_239, %rem3A_245 : i32
          %mul3A_247 = arith.constant 16 : i32
          %mul3A_248 = arith.muli %rem3A_246, %mul3A_247 : i32
          %get3A_249 = arith.index_cast %add3A_244 : i32 to index
          %get3A_250 = arith.index_cast %mul3A_248 : i32 to index
          %get3A_251 = tpu.vector_load %arg6[%get3A_249, %get3A_250] {strides = array<i32>} : memref<200x128xi32, #tpu.memory_space<vmem>>, vector<16xi32>,
          %mul3A_252 = arith.constant 16 : i32
          %mul3A_253 = arith.muli %scan3A_239, %mul3A_252 : i32
          %swap3A = arith.index_cast %mul3A_253 : i32 to index
          %swap3A_254 = tpu.vector_load %arg12[%swap3A] {strides = array<i32>} : memref<256xi32, #tpu.memory_space<vmem>>, vector<16xi32>,
          tpu.vector_store %arg12[%swap3A], %get3A_251 {strides = array<i32>} : memref<256xi32, #tpu.memory_space<vmem>>, vector<16xi32>,
          %scan3A_255 = arith.constant 1 : i32
          %scan3A_256 = arith.addi %scan3A_239, %scan3A_255 : i32
          %mul3A_257 = arith.constant 2 : i32
          %mul3A_258 = arith.muli %add3A_229, %mul3A_257 : i32
          %shift_right_logical3A_259 = arith.constant 3 : i32
          %shift_right_logical3A_260 = arith.shrui %scan3A_256, %shift_right_logical3A_259 : i32
          %add3A_261 = arith.addi %mul3A_258, %shift_right_logical3A_260 : i32
          %rem3A_262 = arith.constant 8 : i32
          %rem3A_263 = arith.remsi %scan3A_256, %rem3A_262 : i32
          %mul3A_264 = arith.constant 16 : i32
          %mul3A_265 = arith.muli %rem3A_263, %mul3A_264 : i32
          %get3A_266 = arith.index_cast %add3A_261 : i32 to index
          %get3A_267 = arith.index_cast %mul3A_265 : i32 to index
          %get3A_268 = tpu.vector_load %arg6[%get3A_266, %get3A_267] {strides = array<i32>} : memref<200x128xi32, #tpu.memory_space<vmem>>, vector<16xi32>,
          %mul3A_269 = arith.constant 16 : i32
          %mul3A_270 = arith.muli %scan3A_256, %mul3A_269 : i32
          %swap3A_271 = arith.index_cast %mul3A_270 : i32 to index
          %swap3A_272 = tpu.vector_load %arg12[%swap3A_271] {strides = array<i32>} : memref<256xi32, #tpu.memory_space<vmem>>, vector<16xi32>,
          tpu.vector_store %arg12[%swap3A_271], %get3A_268 {strides = array<i32>} : memref<256xi32, #tpu.memory_space<vmem>>, vector<16xi32>,
          %scan3A_273 = arith.constant 2 : i32
          %scan3A_274 = arith.addi %scan3A_239, %scan3A_273 : i32
          %mul3A_275 = arith.constant 2 : i32
          %mul3A_276 = arith.muli %add3A_229, %mul3A_275 : i32
          %shift_right_logical3A_277 = arith.constant 3 : i32
          %shift_right_logical3A_278 = arith.shrui %scan3A_274, %shift_right_logical3A_277 : i32
          %add3A_279 = arith.addi %mul3A_276, %shift_right_logical3A_278 : i32
          %rem3A_280 = arith.constant 8 : i32
          %rem3A_281 = arith.remsi %scan3A_274, %rem3A_280 : i32
          %mul3A_282 = arith.constant 16 : i32
          %mul3A_283 = arith.muli %rem3A_281, %mul3A_282 : i32
          %get3A_284 = arith.index_cast %add3A_279 : i32 to index
          %get3A_285 = arith.index_cast %mul3A_283 : i32 to index
          %get3A_286 = tpu.vector_load %arg6[%get3A_284, %get3A_285] {strides = array<i32>} : memref<200x128xi32, #tpu.memory_space<vmem>>, vector<16xi32>,
          %mul3A_287 = arith.constant 16 : i32
          %mul3A_288 = arith.muli %scan3A_274, %mul3A_287 : i32
          %swap3A_289 = arith.index_cast %mul3A_288 : i32 to index
          %swap3A_290 = tpu.vector_load %arg12[%swap3A_289] {strides = array<i32>} : memref<256xi32, #tpu.memory_space<vmem>>, vector<16xi32>,
          tpu.vector_store %arg12[%swap3A_289], %get3A_286 {strides = array<i32>} : memref<256xi32, #tpu.memory_space<vmem>>, vector<16xi32>,
          %scan3A_291 = arith.constant 3 : i32
          %scan3A_292 = arith.addi %scan3A_239, %scan3A_291 : i32
          %mul3A_293 = arith.constant 2 : i32
          %mul3A_294 = arith.muli %add3A_229, %mul3A_293 : i32
          %shift_right_logical3A_295 = arith.constant 3 : i32
          %shift_right_logical3A_296 = arith.shrui %scan3A_292, %shift_right_logical3A_295 : i32
          %add3A_297 = arith.addi %mul3A_294, %shift_right_logical3A_296 : i32
          %rem3A_298 = arith.constant 8 : i32
          %rem3A_299 = arith.remsi %scan3A_292, %rem3A_298 : i32
          %mul3A_300 = arith.constant 16 : i32
          %mul3A_301 = arith.muli %rem3A_299, %mul3A_300 : i32
          %get3A_302 = arith.index_cast %add3A_297 : i32 to index
          %get3A_303 = arith.index_cast %mul3A_301 : i32 to index
          %get3A_304 = tpu.vector_load %arg6[%get3A_302, %get3A_303] {strides = array<i32>} : memref<200x128xi32, #tpu.memory_space<vmem>>, vector<16xi32>,
          %mul3A_305 = arith.constant 16 : i32
          %mul3A_306 = arith.muli %scan3A_292, %mul3A_305 : i32
          %swap3A_307 = arith.index_cast %mul3A_306 : i32 to index
          %swap3A_308 = tpu.vector_load %arg12[%swap3A_307] {strides = array<i32>} : memref<256xi32, #tpu.memory_space<vmem>>, vector<16xi32>,
          tpu.vector_store %arg12[%swap3A_307], %get3A_304 {strides = array<i32>} : memref<256xi32, #tpu.memory_space<vmem>>, vector<16xi32>,
        }
        %scan3A_235 = arith.constant 16 : i32
        %dma_start3A_236 = arith.constant 0 : i32
        %dma_start3A_237 = arith.constant 0 : i32
        %dma_start3A_238 = tpu.memref_slice %arg3[%dma_start3A_236, %dma_start3A_237] : memref<1000000x32xf32, #tpu.memory_space<hbm>> -> memref<1000000x32xf32, #tpu.memory_space<hbm>>
        tpu.enqueue_indirect_dma source(%dma_start3A_238 : memref<1000000x32xf32, #tpu.memory_space<hbm>>) target(%arg8 : memref<256x32xf32, #tpu.memory_space<vmem>>) offsets(%arg12 : memref<256xi32, #tpu.memory_space<vmem>>) semaphore(%arg15 : memref<!tpu.dma_semaphore, #tpu.memory_space<semaphore_mem>>)
      } else {
      }
      %mul3A_153 = arith.constant 2 : i32
      %mul3A_154 = arith.muli %scan3A_83, %mul3A_153 : i32
      %add3A_155 = arith.constant 1 : i32
      %add3A_156 = arith.addi %mul3A_154, %add3A_155 : i32
      %dma_wait3A_157 = arith.constant 0 : i32
      %dma_wait3A_158 = arith.constant 0 : i32
      %dma_wait3A_159 = tpu.memref_slice %arg3[%dma_wait3A_157, %dma_wait3A_158] : memref<1000000x32xf32, #tpu.memory_space<hbm>> -> memref<1000000x32xf32, #tpu.memory_space<hbm>>
      tpu.wait_indirect_dma semaphore(%arg16 : memref<!tpu.dma_semaphore, #tpu.memory_space<semaphore_mem>>) src(%dma_wait3A_159 : memref<1000000x32xf32, #tpu.memory_space<hbm>>) dst(%arg9 : memref<256x32xf32, #tpu.memory_space<vmem>>)
      %gt3A_160 = arith.constant 0 : i32
      %gt3A_161 = arith.cmpi sgt, %scan3A_83, %gt3A_160 : i32
      %convert_element_type3A_162 = arith.extui %gt3A_161 : i1 to i32
      %cond3A_163 = arith.constant 0 : i32
      %cond3A_164 = arith.cmpi ne, %convert_element_type3A_162, %cond3A_163 : i32
      scf.if %cond3A_164 {
        %sub3A = arith.constant 2 : i32
        %sub3A_228 = arith.subi %add3A_156, %sub3A : i32
        %mul3A_229 = arith.constant 2 : i32
        %mul3A_230 = arith.muli %sub3A_228, %mul3A_229 : i32
        %dma_wait3A_231 = arith.constant 0 : i32
        %dma_wait3A_232 = arith.constant 0 : i32
        %dma_wait3A_233 = arith.constant 0 : i32
        %dma_wait3A_234 = arith.constant 0 : i32
        %dma_wait3A_235 = tpu.memref_slice %arg11[%dma_wait3A_231, %dma_wait3A_232, %dma_wait3A_233, %dma_wait3A_234] : memref<2x4x8x129xf32, #tpu.memory_space<vmem>> -> memref<2x4x8x128xf32, #tpu.memory_space<vmem>>
        %dma_wait3A_236 = arith.constant 0 : i32
        %dma_wait3A_237 = arith.constant 0 : i32
        %dma_wait3A_238 = arith.constant 0 : i32
        %dma_wait3A_239 = tpu.memref_slice %arg5[%mul3A_230, %dma_wait3A_236, %add3A, %dma_wait3A_237, %dma_wait3A_238] : memref<200x4x32x8x128xf32, #tpu.memory_space<hbm>> -> memref<2x4x1x8x128xf32, #tpu.memory_space<hbm>>
        %dma_wait3A_240 = tpu.memref_squeeze %dma_wait3A_239 : memref<2x4x1x8x128xf32, #tpu.memory_space<hbm>> -> memref<2x4x8x128xf32, #tpu.memory_space<hbm>>
        %dma_wait3A_241 = arith.constant 0 : i32
        %dma_wait3A_242 = arith.constant 0 : i32
        %dma_wait3A_243 = arith.constant 0 : i32
        %dma_wait3A_244 = tpu.memref_slice %arg5[%mul3A_230, %dma_wait3A_241, %add3A, %dma_wait3A_242, %dma_wait3A_243] : memref<200x4x32x8x128xf32, #tpu.memory_space<hbm>> -> memref<2x4x1x8x128xf32, #tpu.memory_space<hbm>>
        %dma_wait3A_245 = tpu.memref_squeeze %dma_wait3A_244 : memref<2x4x1x8x128xf32, #tpu.memory_space<hbm>> -> memref<2x4x8x128xf32, #tpu.memory_space<hbm>>
        %dma_wait3A_246 = arith.constant 0 : i32
        %dma_wait3A_247 = arith.constant 0 : i32
        %dma_wait3A_248 = arith.constant 0 : i32
        %dma_wait3A_249 = arith.constant 0 : i32
        %dma_wait3A_250 = tpu.memref_slice %arg11[%dma_wait3A_246, %dma_wait3A_247, %dma_wait3A_248, %dma_wait3A_249] : memref<2x4x8x129xf32, #tpu.memory_space<vmem>> -> memref<2x4x8x128xf32, #tpu.memory_space<vmem>>
        tpu.wait_dma2 semaphore(%arg18 : memref<!tpu.dma_semaphore, #tpu.memory_space<semaphore_mem>>) src(%dma_wait3A_250 : memref<2x4x8x128xf32, #tpu.memory_space<vmem>>) dst(%dma_wait3A_245 : memref<2x4x8x128xf32, #tpu.memory_space<hbm>>)
      } else {
      }
      %mul3A_165 = arith.constant 2 : i32
      %mul3A_166 = arith.muli %add3A_156, %mul3A_165 : i32
      %add3A_167 = arith.constant 0 : i32
      %add3A_168 = arith.addi %mul3A_166, %add3A_167 : i32
      %get3A_169 = arith.index_cast %add3A_168 : i32 to index
      %get3A_170 = arith.constant 0 : index
      %get3A_171 = tpu.vector_load %arg7[%get3A_169, %get3A_170] {strides = array<i32>} : memref<200x32xf32, #tpu.memory_space<vmem>>, vector<16xf32>,
      %get3A_172 = arith.index_cast %add3A_168 : i32 to index
      %get3A_173 = arith.constant 16 : index
      %get3A_174 = tpu.vector_load %arg7[%get3A_172, %get3A_173] {strides = array<i32>} : memref<200x32xf32, #tpu.memory_space<vmem>>, vector<16xf32>,
      %broadcast_in_dim3A_175 = arith.constant 0 : i32
      %broadcast_in_dim3A_176 = vector.broadcast %broadcast_in_dim3A_175 : i32 to vector<16xi32>
      %scan3A_177 = arith.constant 0 : i32
      %scan3A_178 = arith.constant 0 : i32
      %scan3A_179 = arith.constant 128 : i32
      %scan3A_180 = arith.addi %scan3A_178, %scan3A_179 : i32
      %scan3A_181 = arith.constant 8 : i32
      scf.for %scan3A_228 = %scan3A_178 to %scan3A_180 step %scan3A_181  : i32 {
        %add3A_229 = arith.constant 0 : i32
        %add3A_230 = arith.addi %add3A_229, %scan3A_228 : i32
        %broadcast_in_dim3A_231 = vector.broadcast %scan3A_228 : i32 to vector<16xi32>
        %get3A_232 = arith.index_cast %add3A_230 : i32 to index
        %get3A_233 = arith.constant 0 : index
        %get3A_234 = tpu.vector_load %arg9[%get3A_232, %get3A_233] {strides = array<i32>} : memref<256x32xf32, #tpu.memory_space<vmem>>, vector<16xf32>,
        %add3A_235 = arith.addf %get3A_234, %get3A_171 : vector<16xf32>
        tpu.vector_store_idx %arg11[%broadcast_in_dim3A_176, %shift_right_logical3A_10, %rem3A_12, %broadcast_in_dim3A_231], %add3A_235 : memref<2x4x8x129xf32, #tpu.memory_space<vmem>>[vector<16xi32>, vector<16xi32>, vector<16xi32>, vector<16xi32>], vector<16xf32>,
        %get3A_236 = arith.index_cast %add3A_230 : i32 to index
        %get3A_237 = arith.constant 16 : index
        %get3A_238 = tpu.vector_load %arg9[%get3A_236, %get3A_237] {strides = array<i32>} : memref<256x32xf32, #tpu.memory_space<vmem>>, vector<16xf32>,
        %add3A_239 = arith.addf %get3A_238, %get3A_174 : vector<16xf32>
        tpu.vector_store_idx %arg11[%broadcast_in_dim3A_176, %add3A_15, %rem3A_12, %broadcast_in_dim3A_231], %add3A_239 : memref<2x4x8x129xf32, #tpu.memory_space<vmem>>[vector<16xi32>, vector<16xi32>, vector<16xi32>, vector<16xi32>], vector<16xf32>,
        %scan3A_240 = arith.constant 1 : i32
        %scan3A_241 = arith.addi %scan3A_228, %scan3A_240 : i32
        %add3A_242 = arith.constant 0 : i32
        %add3A_243 = arith.addi %add3A_242, %scan3A_241 : i32
        %broadcast_in_dim3A_244 = vector.broadcast %scan3A_241 : i32 to vector<16xi32>
        %get3A_245 = arith.index_cast %add3A_243 : i32 to index
        %get3A_246 = arith.constant 0 : index
        %get3A_247 = tpu.vector_load %arg9[%get3A_245, %get3A_246] {strides = array<i32>} : memref<256x32xf32, #tpu.memory_space<vmem>>, vector<16xf32>,
        %add3A_248 = arith.addf %get3A_247, %get3A_171 : vector<16xf32>
        tpu.vector_store_idx %arg11[%broadcast_in_dim3A_176, %shift_right_logical3A_10, %rem3A_12, %broadcast_in_dim3A_244], %add3A_248 : memref<2x4x8x129xf32, #tpu.memory_space<vmem>>[vector<16xi32>, vector<16xi32>, vector<16xi32>, vector<16xi32>], vector<16xf32>,
        %get3A_249 = arith.index_cast %add3A_243 : i32 to index
        %get3A_250 = arith.constant 16 : index
        %get3A_251 = tpu.vector_load %arg9[%get3A_249, %get3A_250] {strides = array<i32>} : memref<256x32xf32, #tpu.memory_space<vmem>>, vector<16xf32>,
        %add3A_252 = arith.addf %get3A_251, %get3A_174 : vector<16xf32>
        tpu.vector_store_idx %arg11[%broadcast_in_dim3A_176, %add3A_15, %rem3A_12, %broadcast_in_dim3A_244], %add3A_252 : memref<2x4x8x129xf32, #tpu.memory_space<vmem>>[vector<16xi32>, vector<16xi32>, vector<16xi32>, vector<16xi32>], vector<16xf32>,
        %scan3A_253 = arith.constant 2 : i32
        %scan3A_254 = arith.addi %scan3A_228, %scan3A_253 : i32
        %add3A_255 = arith.constant 0 : i32
        %add3A_256 = arith.addi %add3A_255, %scan3A_254 : i32
        %broadcast_in_dim3A_257 = vector.broadcast %scan3A_254 : i32 to vector<16xi32>
        %get3A_258 = arith.index_cast %add3A_256 : i32 to index
        %get3A_259 = arith.constant 0 : index
        %get3A_260 = tpu.vector_load %arg9[%get3A_258, %get3A_259] {strides = array<i32>} : memref<256x32xf32, #tpu.memory_space<vmem>>, vector<16xf32>,
        %add3A_261 = arith.addf %get3A_260, %get3A_171 : vector<16xf32>
        tpu.vector_store_idx %arg11[%broadcast_in_dim3A_176, %shift_right_logical3A_10, %rem3A_12, %broadcast_in_dim3A_257], %add3A_261 : memref<2x4x8x129xf32, #tpu.memory_space<vmem>>[vector<16xi32>, vector<16xi32>, vector<16xi32>, vector<16xi32>], vector<16xf32>,
        %get3A_262 = arith.index_cast %add3A_256 : i32 to index
        %get3A_263 = arith.constant 16 : index
        %get3A_264 = tpu.vector_load %arg9[%get3A_262, %get3A_263] {strides = array<i32>} : memref<256x32xf32, #tpu.memory_space<vmem>>, vector<16xf32>,
        %add3A_265 = arith.addf %get3A_264, %get3A_174 : vector<16xf32>
        tpu.vector_store_idx %arg11[%broadcast_in_dim3A_176, %add3A_15, %rem3A_12, %broadcast_in_dim3A_257], %add3A_265 : memref<2x4x8x129xf32, #tpu.memory_space<vmem>>[vector<16xi32>, vector<16xi32>, vector<16xi32>, vector<16xi32>], vector<16xf32>,
        %scan3A_266 = arith.constant 3 : i32
        %scan3A_267 = arith.addi %scan3A_228, %scan3A_266 : i32
        %add3A_268 = arith.constant 0 : i32
        %add3A_269 = arith.addi %add3A_268, %scan3A_267 : i32
        %broadcast_in_dim3A_270 = vector.broadcast %scan3A_267 : i32 to vector<16xi32>
        %get3A_271 = arith.index_cast %add3A_269 : i32 to index
        %get3A_272 = arith.constant 0 : index
        %get3A_273 = tpu.vector_load %arg9[%get3A_271, %get3A_272] {strides = array<i32>} : memref<256x32xf32, #tpu.memory_space<vmem>>, vector<16xf32>,
        %add3A_274 = arith.addf %get3A_273, %get3A_171 : vector<16xf32>
        tpu.vector_store_idx %arg11[%broadcast_in_dim3A_176, %shift_right_logical3A_10, %rem3A_12, %broadcast_in_dim3A_270], %add3A_274 : memref<2x4x8x129xf32, #tpu.memory_space<vmem>>[vector<16xi32>, vector<16xi32>, vector<16xi32>, vector<16xi32>], vector<16xf32>,
        %get3A_275 = arith.index_cast %add3A_269 : i32 to index
        %get3A_276 = arith.constant 16 : index
        %get3A_277 = tpu.vector_load %arg9[%get3A_275, %get3A_276] {strides = array<i32>} : memref<256x32xf32, #tpu.memory_space<vmem>>, vector<16xf32>,
        %add3A_278 = arith.addf %get3A_277, %get3A_174 : vector<16xf32>
        tpu.vector_store_idx %arg11[%broadcast_in_dim3A_176, %add3A_15, %rem3A_12, %broadcast_in_dim3A_270], %add3A_278 : memref<2x4x8x129xf32, #tpu.memory_space<vmem>>[vector<16xi32>, vector<16xi32>, vector<16xi32>, vector<16xi32>], vector<16xf32>,
        %scan3A_279 = arith.constant 4 : i32
        %scan3A_280 = arith.addi %scan3A_228, %scan3A_279 : i32
        %add3A_281 = arith.constant 0 : i32
        %add3A_282 = arith.addi %add3A_281, %scan3A_280 : i32
        %broadcast_in_dim3A_283 = vector.broadcast %scan3A_280 : i32 to vector<16xi32>
        %get3A_284 = arith.index_cast %add3A_282 : i32 to index
        %get3A_285 = arith.constant 0 : index
        %get3A_286 = tpu.vector_load %arg9[%get3A_284, %get3A_285] {strides = array<i32>} : memref<256x32xf32, #tpu.memory_space<vmem>>, vector<16xf32>,
        %add3A_287 = arith.addf %get3A_286, %get3A_171 : vector<16xf32>
        tpu.vector_store_idx %arg11[%broadcast_in_dim3A_176, %shift_right_logical3A_10, %rem3A_12, %broadcast_in_dim3A_283], %add3A_287 : memref<2x4x8x129xf32, #tpu.memory_space<vmem>>[vector<16xi32>, vector<16xi32>, vector<16xi32>, vector<16xi32>], vector<16xf32>,
        %get3A_288 = arith.index_cast %add3A_282 : i32 to index
        %get3A_289 = arith.constant 16 : index
        %get3A_290 = tpu.vector_load %arg9[%get3A_288, %get3A_289] {strides = array<i32>} : memref<256x32xf32, #tpu.memory_space<vmem>>, vector<16xf32>,
        %add3A_291 = arith.addf %get3A_290, %get3A_174 : vector<16xf32>
        tpu.vector_store_idx %arg11[%broadcast_in_dim3A_176, %add3A_15, %rem3A_12, %broadcast_in_dim3A_283], %add3A_291 : memref<2x4x8x129xf32, #tpu.memory_space<vmem>>[vector<16xi32>, vector<16xi32>, vector<16xi32>, vector<16xi32>], vector<16xf32>,
        %scan3A_292 = arith.constant 5 : i32
        %scan3A_293 = arith.addi %scan3A_228, %scan3A_292 : i32
        %add3A_294 = arith.constant 0 : i32
        %add3A_295 = arith.addi %add3A_294, %scan3A_293 : i32
        %broadcast_in_dim3A_296 = vector.broadcast %scan3A_293 : i32 to vector<16xi32>
        %get3A_297 = arith.index_cast %add3A_295 : i32 to index
        %get3A_298 = arith.constant 0 : index
        %get3A_299 = tpu.vector_load %arg9[%get3A_297, %get3A_298] {strides = array<i32>} : memref<256x32xf32, #tpu.memory_space<vmem>>, vector<16xf32>,
        %add3A_300 = arith.addf %get3A_299, %get3A_171 : vector<16xf32>
        tpu.vector_store_idx %arg11[%broadcast_in_dim3A_176, %shift_right_logical3A_10, %rem3A_12, %broadcast_in_dim3A_296], %add3A_300 : memref<2x4x8x129xf32, #tpu.memory_space<vmem>>[vector<16xi32>, vector<16xi32>, vector<16xi32>, vector<16xi32>], vector<16xf32>,
        %get3A_301 = arith.index_cast %add3A_295 : i32 to index
        %get3A_302 = arith.constant 16 : index
        %get3A_303 = tpu.vector_load %arg9[%get3A_301, %get3A_302] {strides = array<i32>} : memref<256x32xf32, #tpu.memory_space<vmem>>, vector<16xf32>,
        %add3A_304 = arith.addf %get3A_303, %get3A_174 : vector<16xf32>
        tpu.vector_store_idx %arg11[%broadcast_in_dim3A_176, %add3A_15, %rem3A_12, %broadcast_in_dim3A_296], %add3A_304 : memref<2x4x8x129xf32, #tpu.memory_space<vmem>>[vector<16xi32>, vector<16xi32>, vector<16xi32>, vector<16xi32>], vector<16xf32>,
        %scan3A_305 = arith.constant 6 : i32
        %scan3A_306 = arith.addi %scan3A_228, %scan3A_305 : i32
        %add3A_307 = arith.constant 0 : i32
        %add3A_308 = arith.addi %add3A_307, %scan3A_306 : i32
        %broadcast_in_dim3A_309 = vector.broadcast %scan3A_306 : i32 to vector<16xi32>
        %get3A_310 = arith.index_cast %add3A_308 : i32 to index
        %get3A_311 = arith.constant 0 : index
        %get3A_312 = tpu.vector_load %arg9[%get3A_310, %get3A_311] {strides = array<i32>} : memref<256x32xf32, #tpu.memory_space<vmem>>, vector<16xf32>,
        %add3A_313 = arith.addf %get3A_312, %get3A_171 : vector<16xf32>
        tpu.vector_store_idx %arg11[%broadcast_in_dim3A_176, %shift_right_logical3A_10, %rem3A_12, %broadcast_in_dim3A_309], %add3A_313 : memref<2x4x8x129xf32, #tpu.memory_space<vmem>>[vector<16xi32>, vector<16xi32>, vector<16xi32>, vector<16xi32>], vector<16xf32>,
        %get3A_314 = arith.index_cast %add3A_308 : i32 to index
        %get3A_315 = arith.constant 16 : index
        %get3A_316 = tpu.vector_load %arg9[%get3A_314, %get3A_315] {strides = array<i32>} : memref<256x32xf32, #tpu.memory_space<vmem>>, vector<16xf32>,
        %add3A_317 = arith.addf %get3A_316, %get3A_174 : vector<16xf32>
        tpu.vector_store_idx %arg11[%broadcast_in_dim3A_176, %add3A_15, %rem3A_12, %broadcast_in_dim3A_309], %add3A_317 : memref<2x4x8x129xf32, #tpu.memory_space<vmem>>[vector<16xi32>, vector<16xi32>, vector<16xi32>, vector<16xi32>], vector<16xf32>,
        %scan3A_318 = arith.constant 7 : i32
        %scan3A_319 = arith.addi %scan3A_228, %scan3A_318 : i32
        %add3A_320 = arith.constant 0 : i32
        %add3A_321 = arith.addi %add3A_320, %scan3A_319 : i32
        %broadcast_in_dim3A_322 = vector.broadcast %scan3A_319 : i32 to vector<16xi32>
        %get3A_323 = arith.index_cast %add3A_321 : i32 to index
        %get3A_324 = arith.constant 0 : index
        %get3A_325 = tpu.vector_load %arg9[%get3A_323, %get3A_324] {strides = array<i32>} : memref<256x32xf32, #tpu.memory_space<vmem>>, vector<16xf32>,
        %add3A_326 = arith.addf %get3A_325, %get3A_171 : vector<16xf32>
        tpu.vector_store_idx %arg11[%broadcast_in_dim3A_176, %shift_right_logical3A_10, %rem3A_12, %broadcast_in_dim3A_322], %add3A_326 : memref<2x4x8x129xf32, #tpu.memory_space<vmem>>[vector<16xi32>, vector<16xi32>, vector<16xi32>, vector<16xi32>], vector<16xf32>,
        %get3A_327 = arith.index_cast %add3A_321 : i32 to index
        %get3A_328 = arith.constant 16 : index
        %get3A_329 = tpu.vector_load %arg9[%get3A_327, %get3A_328] {strides = array<i32>} : memref<256x32xf32, #tpu.memory_space<vmem>>, vector<16xf32>,
        %add3A_330 = arith.addf %get3A_329, %get3A_174 : vector<16xf32>
        tpu.vector_store_idx %arg11[%broadcast_in_dim3A_176, %add3A_15, %rem3A_12, %broadcast_in_dim3A_322], %add3A_330 : memref<2x4x8x129xf32, #tpu.memory_space<vmem>>[vector<16xi32>, vector<16xi32>, vector<16xi32>, vector<16xi32>], vector<16xf32>,
      }
      %scan3A_182 = arith.constant 128 : i32
      %mul3A_183 = arith.constant 2 : i32
      %mul3A_184 = arith.muli %add3A_156, %mul3A_183 : i32
      %add3A_185 = arith.constant 1 : i32
      %add3A_186 = arith.addi %mul3A_184, %add3A_185 : i32
      %get3A_187 = arith.index_cast %add3A_186 : i32 to index
      %get3A_188 = arith.constant 0 : index
      %get3A_189 = tpu.vector_load %arg7[%get3A_187, %get3A_188] {strides = array<i32>} : memref<200x32xf32, #tpu.memory_space<vmem>>, vector<16xf32>,
      %get3A_190 = arith.index_cast %add3A_186 : i32 to index
      %get3A_191 = arith.constant 16 : index
      %get3A_192 = tpu.vector_load %arg7[%get3A_190, %get3A_191] {strides = array<i32>} : memref<200x32xf32, #tpu.memory_space<vmem>>, vector<16xf32>,
      %broadcast_in_dim3A_193 = arith.constant 1 : i32
      %broadcast_in_dim3A_194 = vector.broadcast %broadcast_in_dim3A_193 : i32 to vector<16xi32>
      %scan3A_195 = arith.constant 0 : i32
      %scan3A_196 = arith.constant 0 : i32
      %scan3A_197 = arith.constant 128 : i32
      %scan3A_198 = arith.addi %scan3A_196, %scan3A_197 : i32
      %scan3A_199 = arith.constant 8 : i32
      scf.for %scan3A_228 = %scan3A_196 to %scan3A_198 step %scan3A_199  : i32 {
        %add3A_229 = arith.constant 128 : i32
        %add3A_230 = arith.addi %add3A_229, %scan3A_228 : i32
        %broadcast_in_dim3A_231 = vector.broadcast %scan3A_228 : i32 to vector<16xi32>
        %get3A_232 = arith.index_cast %add3A_230 : i32 to index
        %get3A_233 = arith.constant 0 : index
        %get3A_234 = tpu.vector_load %arg9[%get3A_232, %get3A_233] {strides = array<i32>} : memref<256x32xf32, #tpu.memory_space<vmem>>, vector<16xf32>,
        %add3A_235 = arith.addf %get3A_234, %get3A_189 : vector<16xf32>
        tpu.vector_store_idx %arg11[%broadcast_in_dim3A_194, %shift_right_logical3A_10, %rem3A_12, %broadcast_in_dim3A_231], %add3A_235 : memref<2x4x8x129xf32, #tpu.memory_space<vmem>>[vector<16xi32>, vector<16xi32>, vector<16xi32>, vector<16xi32>], vector<16xf32>,
        %get3A_236 = arith.index_cast %add3A_230 : i32 to index
        %get3A_237 = arith.constant 16 : index
        %get3A_238 = tpu.vector_load %arg9[%get3A_236, %get3A_237] {strides = array<i32>} : memref<256x32xf32, #tpu.memory_space<vmem>>, vector<16xf32>,
        %add3A_239 = arith.addf %get3A_238, %get3A_192 : vector<16xf32>
        tpu.vector_store_idx %arg11[%broadcast_in_dim3A_194, %add3A_15, %rem3A_12, %broadcast_in_dim3A_231], %add3A_239 : memref<2x4x8x129xf32, #tpu.memory_space<vmem>>[vector<16xi32>, vector<16xi32>, vector<16xi32>, vector<16xi32>], vector<16xf32>,
        %scan3A_240 = arith.constant 1 : i32
        %scan3A_241 = arith.addi %scan3A_228, %scan3A_240 : i32
        %add3A_242 = arith.constant 128 : i32
        %add3A_243 = arith.addi %add3A_242, %scan3A_241 : i32
        %broadcast_in_dim3A_244 = vector.broadcast %scan3A_241 : i32 to vector<16xi32>
        %get3A_245 = arith.index_cast %add3A_243 : i32 to index
        %get3A_246 = arith.constant 0 : index
        %get3A_247 = tpu.vector_load %arg9[%get3A_245, %get3A_246] {strides = array<i32>} : memref<256x32xf32, #tpu.memory_space<vmem>>, vector<16xf32>,
        %add3A_248 = arith.addf %get3A_247, %get3A_189 : vector<16xf32>
        tpu.vector_store_idx %arg11[%broadcast_in_dim3A_194, %shift_right_logical3A_10, %rem3A_12, %broadcast_in_dim3A_244], %add3A_248 : memref<2x4x8x129xf32, #tpu.memory_space<vmem>>[vector<16xi32>, vector<16xi32>, vector<16xi32>, vector<16xi32>], vector<16xf32>,
        %get3A_249 = arith.index_cast %add3A_243 : i32 to index
        %get3A_250 = arith.constant 16 : index
        %get3A_251 = tpu.vector_load %arg9[%get3A_249, %get3A_250] {strides = array<i32>} : memref<256x32xf32, #tpu.memory_space<vmem>>, vector<16xf32>,
        %add3A_252 = arith.addf %get3A_251, %get3A_192 : vector<16xf32>
        tpu.vector_store_idx %arg11[%broadcast_in_dim3A_194, %add3A_15, %rem3A_12, %broadcast_in_dim3A_244], %add3A_252 : memref<2x4x8x129xf32, #tpu.memory_space<vmem>>[vector<16xi32>, vector<16xi32>, vector<16xi32>, vector<16xi32>], vector<16xf32>,
        %scan3A_253 = arith.constant 2 : i32
        %scan3A_254 = arith.addi %scan3A_228, %scan3A_253 : i32
        %add3A_255 = arith.constant 128 : i32
        %add3A_256 = arith.addi %add3A_255, %scan3A_254 : i32
        %broadcast_in_dim3A_257 = vector.broadcast %scan3A_254 : i32 to vector<16xi32>
        %get3A_258 = arith.index_cast %add3A_256 : i32 to index
        %get3A_259 = arith.constant 0 : index
        %get3A_260 = tpu.vector_load %arg9[%get3A_258, %get3A_259] {strides = array<i32>} : memref<256x32xf32, #tpu.memory_space<vmem>>, vector<16xf32>,
        %add3A_261 = arith.addf %get3A_260, %get3A_189 : vector<16xf32>
        tpu.vector_store_idx %arg11[%broadcast_in_dim3A_194, %shift_right_logical3A_10, %rem3A_12, %broadcast_in_dim3A_257], %add3A_261 : memref<2x4x8x129xf32, #tpu.memory_space<vmem>>[vector<16xi32>, vector<16xi32>, vector<16xi32>, vector<16xi32>], vector<16xf32>,
        %get3A_262 = arith.index_cast %add3A_256 : i32 to index
        %get3A_263 = arith.constant 16 : index
        %get3A_264 = tpu.vector_load %arg9[%get3A_262, %get3A_263] {strides = array<i32>} : memref<256x32xf32, #tpu.memory_space<vmem>>, vector<16xf32>,
        %add3A_265 = arith.addf %get3A_264, %get3A_192 : vector<16xf32>
        tpu.vector_store_idx %arg11[%broadcast_in_dim3A_194, %add3A_15, %rem3A_12, %broadcast_in_dim3A_257], %add3A_265 : memref<2x4x8x129xf32, #tpu.memory_space<vmem>>[vector<16xi32>, vector<16xi32>, vector<16xi32>, vector<16xi32>], vector<16xf32>,
        %scan3A_266 = arith.constant 3 : i32
        %scan3A_267 = arith.addi %scan3A_228, %scan3A_266 : i32
        %add3A_268 = arith.constant 128 : i32
        %add3A_269 = arith.addi %add3A_268, %scan3A_267 : i32
        %broadcast_in_dim3A_270 = vector.broadcast %scan3A_267 : i32 to vector<16xi32>
        %get3A_271 = arith.index_cast %add3A_269 : i32 to index
        %get3A_272 = arith.constant 0 : index
        %get3A_273 = tpu.vector_load %arg9[%get3A_271, %get3A_272] {strides = array<i32>} : memref<256x32xf32, #tpu.memory_space<vmem>>, vector<16xf32>,
        %add3A_274 = arith.addf %get3A_273, %get3A_189 : vector<16xf32>
        tpu.vector_store_idx %arg11[%broadcast_in_dim3A_194, %shift_right_logical3A_10, %rem3A_12, %broadcast_in_dim3A_270], %add3A_274 : memref<2x4x8x129xf32, #tpu.memory_space<vmem>>[vector<16xi32>, vector<16xi32>, vector<16xi32>, vector<16xi32>], vector<16xf32>,
        %get3A_275 = arith.index_cast %add3A_269 : i32 to index
        %get3A_276 = arith.constant 16 : index
        %get3A_277 = tpu.vector_load %arg9[%get3A_275, %get3A_276] {strides = array<i32>} : memref<256x32xf32, #tpu.memory_space<vmem>>, vector<16xf32>,
        %add3A_278 = arith.addf %get3A_277, %get3A_192 : vector<16xf32>
        tpu.vector_store_idx %arg11[%broadcast_in_dim3A_194, %add3A_15, %rem3A_12, %broadcast_in_dim3A_270], %add3A_278 : memref<2x4x8x129xf32, #tpu.memory_space<vmem>>[vector<16xi32>, vector<16xi32>, vector<16xi32>, vector<16xi32>], vector<16xf32>,
        %scan3A_279 = arith.constant 4 : i32
        %scan3A_280 = arith.addi %scan3A_228, %scan3A_279 : i32
        %add3A_281 = arith.constant 128 : i32
        %add3A_282 = arith.addi %add3A_281, %scan3A_280 : i32
        %broadcast_in_dim3A_283 = vector.broadcast %scan3A_280 : i32 to vector<16xi32>
        %get3A_284 = arith.index_cast %add3A_282 : i32 to index
        %get3A_285 = arith.constant 0 : index
        %get3A_286 = tpu.vector_load %arg9[%get3A_284, %get3A_285] {strides = array<i32>} : memref<256x32xf32, #tpu.memory_space<vmem>>, vector<16xf32>,
        %add3A_287 = arith.addf %get3A_286, %get3A_189 : vector<16xf32>
        tpu.vector_store_idx %arg11[%broadcast_in_dim3A_194, %shift_right_logical3A_10, %rem3A_12, %broadcast_in_dim3A_283], %add3A_287 : memref<2x4x8x129xf32, #tpu.memory_space<vmem>>[vector<16xi32>, vector<16xi32>, vector<16xi32>, vector<16xi32>], vector<16xf32>,
        %get3A_288 = arith.index_cast %add3A_282 : i32 to index
        %get3A_289 = arith.constant 16 : index
        %get3A_290 = tpu.vector_load %arg9[%get3A_288, %get3A_289] {strides = array<i32>} : memref<256x32xf32, #tpu.memory_space<vmem>>, vector<16xf32>,
        %add3A_291 = arith.addf %get3A_290, %get3A_192 : vector<16xf32>
        tpu.vector_store_idx %arg11[%broadcast_in_dim3A_194, %add3A_15, %rem3A_12, %broadcast_in_dim3A_283], %add3A_291 : memref<2x4x8x129xf32, #tpu.memory_space<vmem>>[vector<16xi32>, vector<16xi32>, vector<16xi32>, vector<16xi32>], vector<16xf32>,
        %scan3A_292 = arith.constant 5 : i32
        %scan3A_293 = arith.addi %scan3A_228, %scan3A_292 : i32
        %add3A_294 = arith.constant 128 : i32
        %add3A_295 = arith.addi %add3A_294, %scan3A_293 : i32
        %broadcast_in_dim3A_296 = vector.broadcast %scan3A_293 : i32 to vector<16xi32>
        %get3A_297 = arith.index_cast %add3A_295 : i32 to index
        %get3A_298 = arith.constant 0 : index
        %get3A_299 = tpu.vector_load %arg9[%get3A_297, %get3A_298] {strides = array<i32>} : memref<256x32xf32, #tpu.memory_space<vmem>>, vector<16xf32>,
        %add3A_300 = arith.addf %get3A_299, %get3A_189 : vector<16xf32>
        tpu.vector_store_idx %arg11[%broadcast_in_dim3A_194, %shift_right_logical3A_10, %rem3A_12, %broadcast_in_dim3A_296], %add3A_300 : memref<2x4x8x129xf32, #tpu.memory_space<vmem>>[vector<16xi32>, vector<16xi32>, vector<16xi32>, vector<16xi32>], vector<16xf32>,
        %get3A_301 = arith.index_cast %add3A_295 : i32 to index
        %get3A_302 = arith.constant 16 : index
        %get3A_303 = tpu.vector_load %arg9[%get3A_301, %get3A_302] {strides = array<i32>} : memref<256x32xf32, #tpu.memory_space<vmem>>, vector<16xf32>,
        %add3A_304 = arith.addf %get3A_303, %get3A_192 : vector<16xf32>
        tpu.vector_store_idx %arg11[%broadcast_in_dim3A_194, %add3A_15, %rem3A_12, %broadcast_in_dim3A_296], %add3A_304 : memref<2x4x8x129xf32, #tpu.memory_space<vmem>>[vector<16xi32>, vector<16xi32>, vector<16xi32>, vector<16xi32>], vector<16xf32>,
        %scan3A_305 = arith.constant 6 : i32
        %scan3A_306 = arith.addi %scan3A_228, %scan3A_305 : i32
        %add3A_307 = arith.constant 128 : i32
        %add3A_308 = arith.addi %add3A_307, %scan3A_306 : i32
        %broadcast_in_dim3A_309 = vector.broadcast %scan3A_306 : i32 to vector<16xi32>
        %get3A_310 = arith.index_cast %add3A_308 : i32 to index
        %get3A_311 = arith.constant 0 : index
        %get3A_312 = tpu.vector_load %arg9[%get3A_310, %get3A_311] {strides = array<i32>} : memref<256x32xf32, #tpu.memory_space<vmem>>, vector<16xf32>,
        %add3A_313 = arith.addf %get3A_312, %get3A_189 : vector<16xf32>
        tpu.vector_store_idx %arg11[%broadcast_in_dim3A_194, %shift_right_logical3A_10, %rem3A_12, %broadcast_in_dim3A_309], %add3A_313 : memref<2x4x8x129xf32, #tpu.memory_space<vmem>>[vector<16xi32>, vector<16xi32>, vector<16xi32>, vector<16xi32>], vector<16xf32>,
        %get3A_314 = arith.index_cast %add3A_308 : i32 to index
        %get3A_315 = arith.constant 16 : index
        %get3A_316 = tpu.vector_load %arg9[%get3A_314, %get3A_315] {strides = array<i32>} : memref<256x32xf32, #tpu.memory_space<vmem>>, vector<16xf32>,
        %add3A_317 = arith.addf %get3A_316, %get3A_192 : vector<16xf32>
        tpu.vector_store_idx %arg11[%broadcast_in_dim3A_194, %add3A_15, %rem3A_12, %broadcast_in_dim3A_309], %add3A_317 : memref<2x4x8x129xf32, #tpu.memory_space<vmem>>[vector<16xi32>, vector<16xi32>, vector<16xi32>, vector<16xi32>], vector<16xf32>,
        %scan3A_318 = arith.constant 7 : i32
        %scan3A_319 = arith.addi %scan3A_228, %scan3A_318 : i32
        %add3A_320 = arith.constant 128 : i32
        %add3A_321 = arith.addi %add3A_320, %scan3A_319 : i32
        %broadcast_in_dim3A_322 = vector.broadcast %scan3A_319 : i32 to vector<16xi32>
        %get3A_323 = arith.index_cast %add3A_321 : i32 to index
        %get3A_324 = arith.constant 0 : index
        %get3A_325 = tpu.vector_load %arg9[%get3A_323, %get3A_324] {strides = array<i32>} : memref<256x32xf32, #tpu.memory_space<vmem>>, vector<16xf32>,
        %add3A_326 = arith.addf %get3A_325, %get3A_189 : vector<16xf32>
        tpu.vector_store_idx %arg11[%broadcast_in_dim3A_194, %shift_right_logical3A_10, %rem3A_12, %broadcast_in_dim3A_322], %add3A_326 : memref<2x4x8x129xf32, #tpu.memory_space<vmem>>[vector<16xi32>, vector<16xi32>, vector<16xi32>, vector<16xi32>], vector<16xf32>,
        %get3A_327 = arith.index_cast %add3A_321 : i32 to index
        %get3A_328 = arith.constant 16 : index
        %get3A_329 = tpu.vector_load %arg9[%get3A_327, %get3A_328] {strides = array<i32>} : memref<256x32xf32, #tpu.memory_space<vmem>>, vector<16xf32>,
        %add3A_330 = arith.addf %get3A_329, %get3A_192 : vector<16xf32>
        tpu.vector_store_idx %arg11[%broadcast_in_dim3A_194, %add3A_15, %rem3A_12, %broadcast_in_dim3A_322], %add3A_330 : memref<2x4x8x129xf32, #tpu.memory_space<vmem>>[vector<16xi32>, vector<16xi32>, vector<16xi32>, vector<16xi32>], vector<16xf32>,
      }
      %scan3A_200 = arith.constant 128 : i32
      %mul3A_201 = arith.constant 2 : i32
      %mul3A_202 = arith.muli %add3A_156, %mul3A_201 : i32
      %dma_start3A_203 = arith.constant 0 : i32
      %dma_start3A_204 = arith.constant 0 : i32
      %dma_start3A_205 = arith.constant 0 : i32
      %dma_start3A_206 = arith.constant 0 : i32
      %dma_start3A_207 = tpu.memref_slice %arg11[%dma_start3A_203, %dma_start3A_204, %dma_start3A_205, %dma_start3A_206] : memref<2x4x8x129xf32, #tpu.memory_space<vmem>> -> memref<2x4x8x128xf32, #tpu.memory_space<vmem>>
      %dma_start3A_208 = arith.constant 0 : i32
      %dma_start3A_209 = arith.constant 0 : i32
      %dma_start3A_210 = arith.constant 0 : i32
      %dma_start3A_211 = tpu.memref_slice %arg5[%mul3A_202, %dma_start3A_208, %add3A, %dma_start3A_209, %dma_start3A_210] : memref<200x4x32x8x128xf32, #tpu.memory_space<hbm>> -> memref<2x4x1x8x128xf32, #tpu.memory_space<hbm>>
      %dma_start3A_212 = tpu.memref_squeeze %dma_start3A_211 : memref<2x4x1x8x128xf32, #tpu.memory_space<hbm>> -> memref<2x4x8x128xf32, #tpu.memory_space<hbm>>
      %dma_start3A_213 = arith.constant 0 : i32
      %dma_start3A_214 = arith.constant 0 : i32
      %dma_start3A_215 = arith.constant 0 : i32
      %dma_start3A_216 = tpu.memref_slice %arg5[%mul3A_202, %dma_start3A_213, %add3A, %dma_start3A_214, %dma_start3A_215] : memref<200x4x32x8x128xf32, #tpu.memory_space<hbm>> -> memref<2x4x1x8x128xf32, #tpu.memory_space<hbm>>
      %dma_start3A_217 = tpu.memref_squeeze %dma_start3A_216 : memref<2x4x1x8x128xf32, #tpu.memory_space<hbm>> -> memref<2x4x8x128xf32, #tpu.memory_space<hbm>>
      %dma_start3A_218 = arith.constant 0 : i32
      %dma_start3A_219 = arith.constant 0 : i32
      %dma_start3A_220 = arith.constant 0 : i32
      %dma_start3A_221 = arith.constant 0 : i32
      %dma_start3A_222 = tpu.memref_slice %arg11[%dma_start3A_218, %dma_start3A_219, %dma_start3A_220, %dma_start3A_221] : memref<2x4x8x129xf32, #tpu.memory_space<vmem>> -> memref<2x4x8x128xf32, #tpu.memory_space<vmem>>
      tpu.enqueue_dma source(%dma_start3A_222 : memref<2x4x8x128xf32, #tpu.memory_space<vmem>>) target(%dma_start3A_217 : memref<2x4x8x128xf32, #tpu.memory_space<hbm>>) target_semaphore(%arg18 : memref<!tpu.dma_semaphore, #tpu.memory_space<semaphore_mem>>)
      %lt3A_223 = arith.constant 49 : i32
      %lt3A_224 = arith.cmpi slt, %scan3A_83, %lt3A_223 : i32
      %convert_element_type3A_225 = arith.extui %lt3A_224 : i1 to i32
      %cond3A_226 = arith.constant 0 : i32
      %cond3A_227 = arith.cmpi ne, %convert_element_type3A_225, %cond3A_226 : i32
      scf.if %cond3A_227 {
        %add3A_228 = arith.constant 2 : i32
        %add3A_229 = arith.addi %add3A_156, %add3A_228 : i32
        %scan3A_230 = arith.constant 0 : i32
        %scan3A_231 = arith.constant 0 : i32
        %scan3A_232 = arith.constant 16 : i32
        %scan3A_233 = arith.addi %scan3A_231, %scan3A_232 : i32
        %scan3A_234 = arith.constant 4 : i32
        scf.for %scan3A_239 = %scan3A_231 to %scan3A_233 step %scan3A_234  : i32 {
          %mul3A_240 = arith.constant 2 : i32
          %mul3A_241 = arith.muli %add3A_229, %mul3A_240 : i32
          %shift_right_logical3A_242 = arith.constant 3 : i32
          %shift_right_logical3A_243 = arith.shrui %scan3A_239, %shift_right_logical3A_242 : i32
          %add3A_244 = arith.addi %mul3A_241, %shift_right_logical3A_243 : i32
          %rem3A_245 = arith.constant 8 : i32
          %rem3A_246 = arith.remsi %scan3A_239, %rem3A_245 : i32
          %mul3A_247 = arith.constant 16 : i32
          %mul3A_248 = arith.muli %rem3A_246, %mul3A_247 : i32
          %get3A_249 = arith.index_cast %add3A_244 : i32 to index
          %get3A_250 = arith.index_cast %mul3A_248 : i32 to index
          %get3A_251 = tpu.vector_load %arg6[%get3A_249, %get3A_250] {strides = array<i32>} : memref<200x128xi32, #tpu.memory_space<vmem>>, vector<16xi32>,
          %mul3A_252 = arith.constant 16 : i32
          %mul3A_253 = arith.muli %scan3A_239, %mul3A_252 : i32
          %swap3A = arith.index_cast %mul3A_253 : i32 to index
          %swap3A_254 = tpu.vector_load %arg13[%swap3A] {strides = array<i32>} : memref<256xi32, #tpu.memory_space<vmem>>, vector<16xi32>,
          tpu.vector_store %arg13[%swap3A], %get3A_251 {strides = array<i32>} : memref<256xi32, #tpu.memory_space<vmem>>, vector<16xi32>,
          %scan3A_255 = arith.constant 1 : i32
          %scan3A_256 = arith.addi %scan3A_239, %scan3A_255 : i32
          %mul3A_257 = arith.constant 2 : i32
          %mul3A_258 = arith.muli %add3A_229, %mul3A_257 : i32
          %shift_right_logical3A_259 = arith.constant 3 : i32
          %shift_right_logical3A_260 = arith.shrui %scan3A_256, %shift_right_logical3A_259 : i32
          %add3A_261 = arith.addi %mul3A_258, %shift_right_logical3A_260 : i32
          %rem3A_262 = arith.constant 8 : i32
          %rem3A_263 = arith.remsi %scan3A_256, %rem3A_262 : i32
          %mul3A_264 = arith.constant 16 : i32
          %mul3A_265 = arith.muli %rem3A_263, %mul3A_264 : i32
          %get3A_266 = arith.index_cast %add3A_261 : i32 to index
          %get3A_267 = arith.index_cast %mul3A_265 : i32 to index
          %get3A_268 = tpu.vector_load %arg6[%get3A_266, %get3A_267] {strides = array<i32>} : memref<200x128xi32, #tpu.memory_space<vmem>>, vector<16xi32>,
          %mul3A_269 = arith.constant 16 : i32
          %mul3A_270 = arith.muli %scan3A_256, %mul3A_269 : i32
          %swap3A_271 = arith.index_cast %mul3A_270 : i32 to index
          %swap3A_272 = tpu.vector_load %arg13[%swap3A_271] {strides = array<i32>} : memref<256xi32, #tpu.memory_space<vmem>>, vector<16xi32>,
          tpu.vector_store %arg13[%swap3A_271], %get3A_268 {strides = array<i32>} : memref<256xi32, #tpu.memory_space<vmem>>, vector<16xi32>,
          %scan3A_273 = arith.constant 2 : i32
          %scan3A_274 = arith.addi %scan3A_239, %scan3A_273 : i32
          %mul3A_275 = arith.constant 2 : i32
          %mul3A_276 = arith.muli %add3A_229, %mul3A_275 : i32
          %shift_right_logical3A_277 = arith.constant 3 : i32
          %shift_right_logical3A_278 = arith.shrui %scan3A_274, %shift_right_logical3A_277 : i32
          %add3A_279 = arith.addi %mul3A_276, %shift_right_logical3A_278 : i32
          %rem3A_280 = arith.constant 8 : i32
          %rem3A_281 = arith.remsi %scan3A_274, %rem3A_280 : i32
          %mul3A_282 = arith.constant 16 : i32
          %mul3A_283 = arith.muli %rem3A_281, %mul3A_282 : i32
          %get3A_284 = arith.index_cast %add3A_279 : i32 to index
          %get3A_285 = arith.index_cast %mul3A_283 : i32 to index
          %get3A_286 = tpu.vector_load %arg6[%get3A_284, %get3A_285] {strides = array<i32>} : memref<200x128xi32, #tpu.memory_space<vmem>>, vector<16xi32>,
          %mul3A_287 = arith.constant 16 : i32
          %mul3A_288 = arith.muli %scan3A_274, %mul3A_287 : i32
          %swap3A_289 = arith.index_cast %mul3A_288 : i32 to index
          %swap3A_290 = tpu.vector_load %arg13[%swap3A_289] {strides = array<i32>} : memref<256xi32, #tpu.memory_space<vmem>>, vector<16xi32>,
          tpu.vector_store %arg13[%swap3A_289], %get3A_286 {strides = array<i32>} : memref<256xi32, #tpu.memory_space<vmem>>, vector<16xi32>,
          %scan3A_291 = arith.constant 3 : i32
          %scan3A_292 = arith.addi %scan3A_239, %scan3A_291 : i32
          %mul3A_293 = arith.constant 2 : i32
          %mul3A_294 = arith.muli %add3A_229, %mul3A_293 : i32
          %shift_right_logical3A_295 = arith.constant 3 : i32
          %shift_right_logical3A_296 = arith.shrui %scan3A_292, %shift_right_logical3A_295 : i32
          %add3A_297 = arith.addi %mul3A_294, %shift_right_logical3A_296 : i32
          %rem3A_298 = arith.constant 8 : i32
          %rem3A_299 = arith.remsi %scan3A_292, %rem3A_298 : i32
          %mul3A_300 = arith.constant 16 : i32
          %mul3A_301 = arith.muli %rem3A_299, %mul3A_300 : i32
          %get3A_302 = arith.index_cast %add3A_297 : i32 to index
          %get3A_303 = arith.index_cast %mul3A_301 : i32 to index
          %get3A_304 = tpu.vector_load %arg6[%get3A_302, %get3A_303] {strides = array<i32>} : memref<200x128xi32, #tpu.memory_space<vmem>>, vector<16xi32>,
          %mul3A_305 = arith.constant 16 : i32
          %mul3A_306 = arith.muli %scan3A_292, %mul3A_305 : i32
          %swap3A_307 = arith.index_cast %mul3A_306 : i32 to index
          %swap3A_308 = tpu.vector_load %arg13[%swap3A_307] {strides = array<i32>} : memref<256xi32, #tpu.memory_space<vmem>>, vector<16xi32>,
          tpu.vector_store %arg13[%swap3A_307], %get3A_304 {strides = array<i32>} : memref<256xi32, #tpu.memory_space<vmem>>, vector<16xi32>,
        }
        %scan3A_235 = arith.constant 16 : i32
        %dma_start3A_236 = arith.constant 0 : i32
        %dma_start3A_237 = arith.constant 0 : i32
        %dma_start3A_238 = tpu.memref_slice %arg3[%dma_start3A_236, %dma_start3A_237] : memref<1000000x32xf32, #tpu.memory_space<hbm>> -> memref<1000000x32xf32, #tpu.memory_space<hbm>>
        tpu.enqueue_indirect_dma source(%dma_start3A_238 : memref<1000000x32xf32, #tpu.memory_space<hbm>>) target(%arg9 : memref<256x32xf32, #tpu.memory_space<vmem>>) offsets(%arg13 : memref<256xi32, #tpu.memory_space<vmem>>) semaphore(%arg16 : memref<!tpu.dma_semaphore, #tpu.memory_space<semaphore_mem>>)
      } else {
      }
    }
    %scan3A_38 = arith.constant 50 : i32
    %dma_wait3A_39 = arith.constant 0 : i32
    %dma_wait3A_40 = arith.constant 0 : i32
    %dma_wait3A_41 = arith.constant 0 : i32
    %dma_wait3A_42 = arith.constant 0 : i32
    %dma_wait3A_43 = tpu.memref_slice %arg10[%dma_wait3A_39, %dma_wait3A_40, %dma_wait3A_41, %dma_wait3A_42] : memref<2x4x8x129xf32, #tpu.memory_space<vmem>> -> memref<2x4x8x128xf32, #tpu.memory_space<vmem>>
    %dma_wait3A_44 = arith.constant 196 : i32
    %dma_wait3A_45 = arith.constant 0 : i32
    %dma_wait3A_46 = arith.constant 0 : i32
    %dma_wait3A_47 = arith.constant 0 : i32
    %dma_wait3A_48 = tpu.memref_slice %arg5[%dma_wait3A_44, %dma_wait3A_45, %add3A, %dma_wait3A_46, %dma_wait3A_47] : memref<200x4x32x8x128xf32, #tpu.memory_space<hbm>> -> memref<2x4x1x8x128xf32, #tpu.memory_space<hbm>>
    %dma_wait3A_49 = tpu.memref_squeeze %dma_wait3A_48 : memref<2x4x1x8x128xf32, #tpu.memory_space<hbm>> -> memref<2x4x8x128xf32, #tpu.memory_space<hbm>>
    %dma_wait3A_50 = arith.constant 196 : i32
    %dma_wait3A_51 = arith.constant 0 : i32
    %dma_wait3A_52 = arith.constant 0 : i32
    %dma_wait3A_53 = arith.constant 0 : i32
    %dma_wait3A_54 = tpu.memref_slice %arg5[%dma_wait3A_50, %dma_wait3A_51, %add3A, %dma_wait3A_52, %dma_wait3A_53] : memref<200x4x32x8x128xf32, #tpu.memory_space<hbm>> -> memref<2x4x1x8x128xf32, #tpu.memory_space<hbm>>
    %dma_wait3A_55 = tpu.memref_squeeze %dma_wait3A_54 : memref<2x4x1x8x128xf32, #tpu.memory_space<hbm>> -> memref<2x4x8x128xf32, #tpu.memory_space<hbm>>
    %dma_wait3A_56 = arith.constant 0 : i32
    %dma_wait3A_57 = arith.constant 0 : i32
    %dma_wait3A_58 = arith.constant 0 : i32
    %dma_wait3A_59 = arith.constant 0 : i32
    %dma_wait3A_60 = tpu.memref_slice %arg10[%dma_wait3A_56, %dma_wait3A_57, %dma_wait3A_58, %dma_wait3A_59] : memref<2x4x8x129xf32, #tpu.memory_space<vmem>> -> memref<2x4x8x128xf32, #tpu.memory_space<vmem>>
    tpu.wait_dma2 semaphore(%arg17 : memref<!tpu.dma_semaphore, #tpu.memory_space<semaphore_mem>>) src(%dma_wait3A_60 : memref<2x4x8x128xf32, #tpu.memory_space<vmem>>) dst(%dma_wait3A_55 : memref<2x4x8x128xf32, #tpu.memory_space<hbm>>)
    %dma_wait3A_61 = arith.constant 0 : i32
    %dma_wait3A_62 = arith.constant 0 : i32
    %dma_wait3A_63 = arith.constant 0 : i32
    %dma_wait3A_64 = arith.constant 0 : i32
    %dma_wait3A_65 = tpu.memref_slice %arg11[%dma_wait3A_61, %dma_wait3A_62, %dma_wait3A_63, %dma_wait3A_64] : memref<2x4x8x129xf32, #tpu.memory_space<vmem>> -> memref<2x4x8x128xf32, #tpu.memory_space<vmem>>
    %dma_wait3A_66 = arith.constant 198 : i32
    %dma_wait3A_67 = arith.constant 0 : i32
    %dma_wait3A_68 = arith.constant 0 : i32
    %dma_wait3A_69 = arith.constant 0 : i32
    %dma_wait3A_70 = tpu.memref_slice %arg5[%dma_wait3A_66, %dma_wait3A_67, %add3A, %dma_wait3A_68, %dma_wait3A_69] : memref<200x4x32x8x128xf32, #tpu.memory_space<hbm>> -> memref<2x4x1x8x128xf32, #tpu.memory_space<hbm>>
    %dma_wait3A_71 = tpu.memref_squeeze %dma_wait3A_70 : memref<2x4x1x8x128xf32, #tpu.memory_space<hbm>> -> memref<2x4x8x128xf32, #tpu.memory_space<hbm>>
    %dma_wait3A_72 = arith.constant 198 : i32
    %dma_wait3A_73 = arith.constant 0 : i32
    %dma_wait3A_74 = arith.constant 0 : i32
    %dma_wait3A_75 = arith.constant 0 : i32
    %dma_wait3A_76 = tpu.memref_slice %arg5[%dma_wait3A_72, %dma_wait3A_73, %add3A, %dma_wait3A_74, %dma_wait3A_75] : memref<200x4x32x8x128xf32, #tpu.memory_space<hbm>> -> memref<2x4x1x8x128xf32, #tpu.memory_space<hbm>>
    %dma_wait3A_77 = tpu.memref_squeeze %dma_wait3A_76 : memref<2x4x1x8x128xf32, #tpu.memory_space<hbm>> -> memref<2x4x8x128xf32, #tpu.memory_space<hbm>>
    %dma_wait3A_78 = arith.constant 0 : i32
    %dma_wait3A_79 = arith.constant 0 : i32
    %dma_wait3A_80 = arith.constant 0 : i32
    %dma_wait3A_81 = arith.constant 0 : i32
    %dma_wait3A_82 = tpu.memref_slice %arg11[%dma_wait3A_78, %dma_wait3A_79, %dma_wait3A_80, %dma_wait3A_81] : memref<2x4x8x129xf32, #tpu.memory_space<vmem>> -> memref<2x4x8x128xf32, #tpu.memory_space<vmem>>
    tpu.wait_dma2 semaphore(%arg18 : memref<!tpu.dma_semaphore, #tpu.memory_space<semaphore_mem>>) src(%dma_wait3A_82 : memref<2x4x8x128xf32, #tpu.memory_space<vmem>>) dst(%dma_wait3A_77 : memref<2x4x8x128xf32, #tpu.memory_space<hbm>>)
    return
  }
}

</mosaic_0001>

<sc_bundles>
// kernel: kernel.3.cloned.1.call-start
scs
__scs_entry_jumppad:
0x0: {  	(pc) =	sbr.rel $0x88, $3  }
0x1: {  	(tag) =	ssettag $0x0;
	lr =	simm.s32 $0x1  }
0x2: {  	[smem:$0x3F9E] =	sst lr;
	_ =	strace $0xD0000000  }
0x3: {  	_ = 	snop  }
0x4: {  	_ = 	snop  }
0x5: {  	_ = 	snop  }
0x6: {  	_ = 	snop  }
0x7: {  	_ = 	snop  }
__scs_overlays_trampoline_lowered:
0x8: {  	[smem:$0x3FAD] =	sst s0  }
0x9: {  	[smem:$0x3FAE] =	sst s1  }
0xa: {  	[smem:$0x3FAF] =	sst s2  }
0xb: {  	[smem:$0x3FB0] =	sst s3  }
0xc: {  	[smem:$0x3FB1] =	sst s4  }
0xd: {  	[smem:$0x3FB2] =	sst s5  }
0xe: {  	[smem:$0x3FB3] =	sst s6  }
0xf: {  	[smem:$0x3FB4] =	sst s7  }
0x10: {  	[smem:$0x3FB5] =	sst s8  }
0x11: {  	[smem:$0x3FB6] =	sst s9;
	s0 =	simm.s32 @!p0 $0x0  }
0x12: {  	s1 =	sld [smem:$0x3F9C];
	s0 =	simm.s32 @p0 $0x1  }
0x13: {  	[smem:$0x3FB7] =	sst s0;
	s0 =	simm.s32 @!p1 $0x0  }
0x14: {  	s2 =	sld [smem:$0x3F9B];
	s0 =	simm.s32 @p1 $0x1  }
0x15: {  	[smem:$0x3FB8] =	sst s0;
	s0 =	simm.s32 @!p2 $0x0  }
0x16: {  	s3 =	sld [smem:$0x3FDB];
	s0 =	simm.s32 @p2 $0x1  }
0x17: {  	s4 =	simm.s32 $0x1BF5;
	[smem:$0x3FBA] =	sst s0  }
0x18: {  	s0 =	sld [smem:$0x3F9D];
	_ =	swait.ge [sflag:s4], $0x0  }
0x19: {  	s7 =	sld [smem:$0x3F9E]  }
0x1a: {  	s8 =	sadd.s32 $0xFFFFE003, lr  }
0x1b: {  	s9 =	sadd.s32 $0xFFFFFEF7, lr;
	s5 =	simm.s32 $0xFFFFFFFF;
	p2 =	slt.u32 s8, $0xFFFFF086  }
0x1c: {  	p1 =	slt.u32 s9, $0xF7A;
	s5 =	simm.s32 @!p2 $0x0  }
0x1d: {  	s5 =	simm.s32 @p1 $0x1;
	p0 =	seq.s32 s7, s2  }
0x1e: {  	s7 =	smul.u32 @!p0 $0xF7A, s2;
	p2 =	seq.s32 @!p0 s5, $0x0  }
0x1f: {  	s9 =	smul.u32 $0xF7A, s1;
	s8 =	simm.s32 @!p0 $0x1BF5;
	p2 =	por !p2, p0  }
0x20: {  	[sflag:s8] =	ssyncset.s32 @!p0 $0xFFFFF086;
	s6 =	sadd.s32 @!p0 s3, s7;
	s7 =	simm.s32 @!p0 $0x108  }
0x21: {  	s3 =	sadd.s32 s3, s9;
	s6 =	sadd.s32 @!p0 $0x88, s6;
	s7 =	simm.s32 @p2 $0x1082  }
0x22: {  	[simem:s7], [sflag:s8] =	dma.local @!p0 [hbm:s6], $0xF7A  }
0x23: {  	s9 =	sor.u32 $0xD0000000, s2;
	s6 =	simm.s32 $0x108;
	_ =	swait.ge @!p0 [sflag:s8], $0x0  }
0x24: {  	s3 =	sadd.s32 $0x88, s3;
	s6 =	simm.s32 @!p1 $0x1082;
	[sflag:s4] =	ssyncset.s32 $0xFFFFF086  }
0x25: {  	[simem:s6], [sflag:s4] =	dma.local [hbm:s3], $0xF7A  }
0x26: {  	[smem:$0x3F9E] =	sst s1;
	(tag) =	ssettag s2;
	_ =	strace s9  }
0x27: {  	s1 =	sld [smem:$0x3FAE]  }
0x28: {  	s2 =	sld [smem:$0x3FAF]  }
0x29: {  	s4 =	sld [smem:$0x3FB1]  }
0x2a: {  	p0 =	seq.s32 s5, $0x0;
	s5 =	sld [smem:$0x3FB2]  }
0x2b: {  	s6 =	sld [smem:$0x3FB3]  }
0x2c: {  	s7 =	sld [smem:$0x3FB4]  }
0x2d: {  	s3 =	simm.s32 $0x108;
	s8 =	sld [smem:$0x3FB5]  }
0x2e: {  	s3 =	simm.s32 @!p0 $0x1082;
	s9 =	sld [smem:$0x3FB6]  }
0x2f: {  	lr =	sadd.s32 s0, s3;
	s0 =	sld [smem:$0x3FAD]  }
0x30: {  	s3 =	sld [smem:$0x3FB0]  }
0x31: {  	[smem:$0x3FB9] =	sst s10  }
0x32: {  	s10 =	sld [smem:$0x3FB7];
	_ =	sdelay $0x3  }
0x33: {  	p0 =	seq.s32 s10, $0x1;
	s10 =	sld [smem:$0x3FB9];
	_ =	sdelay $0x3  }
0x34: {  	[smem:$0x3FB9] =	sst s10  }
0x35: {  	s10 =	sld [smem:$0x3FB8];
	_ =	sdelay $0x3  }
0x36: {  	p1 =	seq.s32 s10, $0x1;
	s10 =	sld [smem:$0x3FB9];
	_ =	sdelay $0x3  }
0x37: {  	[smem:$0x3FB9] =	sst s10  }
0x38: {  	s10 =	sld [smem:$0x3FBA]  }
0x39: {  	_ = 	snop;
	(pc) =	sbr.ind lr, $3  }
0x3a: {  	_ = 	snop  }
0x3b: {  	_ = 	snop  }
0x3c: {  	p2 =	seq.s32 s10, $0x1;
	s10 =	sld [smem:$0x3FB9]  }
0x3d: {  	_ =	shalt  }
0x3e: {  	_ =	shalt  }
0x3f: {  	_ =	shalt  }
0x40: {  	_ =	shalt  }
0x41: {  	_ =	shalt  }
0x42: {  	_ =	shalt  }
0x43: {  	_ =	shalt  }
0x44: {  	_ =	shalt  }
0x45: {  	_ =	shalt  }
0x46: {  	_ =	shalt  }
0x47: {  	_ =	shalt  }
0x48: {  	_ =	shalt  }
0x49: {  	_ =	shalt  }
0x4a: {  	_ =	shalt  }
0x4b: {  	_ =	shalt  }
0x4c: {  	_ =	shalt  }
0x4d: {  	_ =	shalt  }
0x4e: {  	_ =	shalt  }
0x4f: {  	_ =	shalt  }
0x50: {  	_ =	shalt  }
0x51: {  	_ =	shalt  }
0x52: {  	_ =	shalt  }
0x53: {  	_ =	shalt  }
0x54: {  	_ =	shalt  }
0x55: {  	_ =	shalt  }
0x56: {  	_ =	shalt  }
0x57: {  	_ =	shalt  }
0x58: {  	_ =	shalt  }
0x59: {  	_ =	shalt  }
0x5a: {  	_ =	shalt  }
0x5b: {  	_ =	shalt  }
0x5c: {  	_ =	shalt  }
0x5d: {  	_ =	shalt  }
0x5e: {  	_ =	shalt  }
0x5f: {  	_ =	shalt  }
0x60: {  	_ =	shalt  }
0x61: {  	_ =	shalt  }
0x62: {  	_ =	shalt  }
0x63: {  	_ =	shalt  }
0x64: {  	_ =	shalt  }
0x65: {  	_ =	shalt  }
0x66: {  	_ =	shalt  }
0x67: {  	_ =	shalt  }
0x68: {  	_ =	shalt  }
0x69: {  	_ =	shalt  }
0x6a: {  	_ =	shalt  }
0x6b: {  	_ =	shalt  }
0x6c: {  	_ =	shalt  }
0x6d: {  	_ =	shalt  }
0x6e: {  	_ =	shalt  }
0x6f: {  	_ =	shalt  }
0x70: {  	_ =	shalt  }
0x71: {  	_ =	shalt  }
0x72: {  	_ =	shalt  }
0x73: {  	_ =	shalt  }
0x74: {  	_ =	shalt  }
0x75: {  	_ =	shalt  }
0x76: {  	_ =	shalt  }
0x77: {  	_ =	shalt  }
0x78: {  	_ =	shalt  }
0x79: {  	_ =	shalt  }
0x7a: {  	_ =	shalt  }
0x7b: {  	_ =	shalt  }
0x7c: {  	_ =	shalt  }
0x7d: {  	_ =	shalt  }
0x7e: {  	_ =	shalt  }
0x7f: {  	_ =	shalt  }
0x80: {  	_ =	shalt  }
0x81: {  	_ =	shalt  }
0x82: {  	_ =	shalt  }
0x83: {  	_ =	shalt  }
0x84: {  	_ =	shalt  }
0x85: {  	_ =	shalt  }
0x86: {  	_ =	shalt  }
0x87: {  	_ =	shalt  }
.Lfunc_end0:
.L_simem_size_0:
called_computation_lowered:
.L_overlay_start_0:
0x88: {  	s2 =	sld [smem:$0x3FD9]  }
0x89: {  	s3 =	sld [smem:$0x3FFE];
	_ =	sdelay $0x1  }
0x8a: {  	s1 =	srdreg.scid  }
0x8b: {  	s0 =	sand.u32 $0x1, s1  }
0x8c: {  	s17 =	sshll.u32 s0, $0xA;
	s2 =	sadd.s32 s3, s2  }
0x8d: {  	s2 =	sadd.s32 s2, s17  }
0x8e: {  	[smem:$0x3FC5] =	sst s2  }
0x8f: {  	_ = 	snop  }
0x90: {  	s2 =	sld [smem:$0x3FD0];
	(tm) =	ssettm $0x1  }
0x91: {  	s18 =	sld [smem:$0x3FFB];
	_ =	sdelay $0x3  }
0x92: {  	_ =	strace s18  }
0x93: {  	s3 =	sld [smem:$0x3FFC];
	_ =	sdelay $0x3  }
0x94: {  	_ =	strace s3  }
0x95: {  	s3 =	sld [smem:$0x3FFD];
	_ =	sdelay $0x3  }
0x96: {  	_ =	strace s3  }
0x97: {  	_ =	strace $0x8FFFFFFF  }
0x98: {  	s19 =	sld [smem:$0x3FDB];
	_ =	sdelay $0x1  }
0x99: {  	s4 =	simm.s32 $_scs_section_size  }
0x9a: {  	s5 =	simm.s32 $_size__tile_overlayer_lowered;
	s6 =	simm.s32 $_tile_overlayer_lowered  }
0x9b: {  	s22 =	simm.s32 $0x1BFF;
	s21 =	sshll.u32 s6, $0x1;
	s3 =	sadd.s32 s4, s19  }
0x9c: {  	s7 =	simm.s32 $0x0;
	s20 =	sshll.u32 s5, $0x1;
	s5 =	sadd.s32 s21, s3  }
0x9d: {  	[timem:s7], [sflag:s22] =	dma.local [hbm:s5], s20  }
0x9e: {  	_ =	swait.ge [sflag:s22], s20  }
0x9f: {  	s4 =	ssub.s32 $0x0, s20;
	[sflag:s22] =	ssyncset.done $0x0  }
0xa0: {  	[sflag:s22] =	ssyncadd.s32 s4;
	_ =	sdelay $0x1  }
0xa1: {  	s23 =	simm.s32 $0x1B8B  }
0xa2: {  	_ =	swait.ge [sflag:s23], $0x1  }
0xa3: {  	[sflag:s23] =	ssyncset.done $0x0  }
0xa4: {  	s25 =	simm.s32 $0x1B8E;
	s24 =	sld [smem:$0x3FFE];
	[sflag:s23] =	ssyncadd.s32 $0xFFFFFFFF  }
0xa5: {  	s26 =	simm.s32 $execute0_lowered;
	[smem:$0x3FD2] =	sst s25  }
0xa6: {  	s5 =	sshll.u32 s26, $0x1;
	_ =	strace $0x80000046;
	[dreg:$0x1] =	wrdreg $0xFFFFFFFF  }
0xa7: {  	s28 =	simm.s32 $_size_execute0_lowered;
	s3 =	sadd.s32 s3, s5;
	[dreg:$0x0] =	wrdreg $0x0  }
0xa8: {  	s5 =	sshll.u32 s28, $0x1;
	[dreg:$0x2] =	wrdreg s3  }
0xa9: {  	[dreg:$0x3] =	wrdreg s5  }
0xaa: {  	[dreg:$0x4] =	wrdreg $0xC0  }
0xab: {  	_ =	task [dreg:s7], $0x5FFFF  }
0xac: {  	[dreg:$0x1] =	wrdreg $0xFFFFFFFF  }
0xad: {  	[dreg:$0x0] =	wrdreg $0x60  }
0xae: {  	[dreg:$0x2] =	wrdreg s24  }
0xaf: {  	[dreg:$0x3] =	wrdreg s2  }
0xb0: {  	[dreg:$0x4] =	wrdreg $0x9  }
0xb1: {  	_ =	task.clear_ibuf [dreg:s7], $0x5FFFF;
	_ =	strace $0x90000046  }
0xb2: {  	s29 =	simm.s32 $0x9;
	_ =	strace $0x80000048  }
0xb3: {  	_ =	swait.ge [sflag:s29], $0x1  }
0xb4: {  	[sflag:s29] =	ssyncadd.s32 $0xFFFFFFFF  }
0xb5: {  	_ =	strace $0x90000048  }
0xb6: {  	_ =	sfence  }
0xb7: {  	s30 =	sld [smem:$0x0];
	_ =	sdelay $0x2  }
0xb8: {  	s31 =	sshll.u32 s1, $0xD;
	s1 =	sshrl.u32 s1, $0x2  }
0xb9: {  	s3 =	sand.u32 $0x4000, s31;
	s1 =	sadd.s32 s1, s30  }
0xba: {  	s0 =	sor.u32 s3, s0;
	s1 =	sshll.u32 s1, $0x11  }
0xbb: {  	s0 =	sor.u32 s1, s0  }
0xbc: {  	s0 =	sadd.s32 $0x8F2B, s0  }
0xbd: {  	[sflag:s0] =	ssyncadd.remote.s32 $0x1  }
0xbe: {  	_ =	sfence.sel $0xFFFF  }
0xbf: {  	[dreg:$0x0] =	wrdreg $0xFFFFFFFF;
	(pc) =	sbr.abs _section_cstart, $3  }
0xc0: {  	[dreg:$0x1] =	wrdreg $0xFFFFFFFF  }
0xc1: {  	_ =	task.clear_ibuf [dreg:s7], $0x2FFFF;
	_ =	strace $0x9FFFFFFF  }
0xc2: {  	(tm) =	ssettm $0x7FFFFFFF  }
0xc3: {  	_ =	shalt  }
tec
execute0_lowered:
.L_overlay_start_1:
0x0: {  	(tag) =	ssettag $0x1  }
0x1: {  	v0 =	vlaneseq.u32  }
0x2: {  	s0 =	rddreg [dreg:$0x0];
	v0 =	vmul.u32 $0x88, v0  }
0x3: {  	s1 =	srdreg.scid;
	s3 =	stileid.u32;
	v1 =	vimm.s32 $0x0;
	vm0 =	vcmask $0x300  }
0x4: {  	s2 =	rddreg [dreg:$0x1];
	s10 =	simm.s32 $0x6;
	s12 =	simm.s32 $0x1000;
	v1 =	vsel vm0, $0x3, v1;
	v2 =	vadd.s32 $0x880, v0  }
0x5: {  	s13 =	simm.s32 $0x1;
	s14 =	simm.s32 $0x100;
	s15 =	simm.s32 $0x10100;
	v3 =	vor.u32 $0x1, v0;
	v4 =	vadd.s32 $0x881, v0;
	v5 =	vor.u32 $0x2, v0  }
0x6: {  	s16 =	simm.s32 $0x7D00;
	s17 =	simm.s32 $0x10200;
	s18 =	simm.s32 $0x9D00;
	v6 =	vadd.s32 $0x882, v0;
	v7 =	vor.u32 $0x3, v0;
	v8 =	vadd.s32 $0x883, v0  }
0x7: {  	s19 =	simm.s32 $0x2;
	s20 =	simm.s32 $0xBD00;
	s21 =	simm.s32 $0x3;
	v9 =	vor.u32 $0x4, v0;
	v10 =	vadd.s32 $0x884, v0;
	v11 =	vor.u32 $0x5, v0  }
0x8: {  	s22 =	simm.s32 $0x5;
	s23 =	simm.s32 $0xDF00;
	s24 =	simm.s32 $0x4;
	v12 =	vadd.s32 $0x885, v0;
	v13 =	vor.u32 $0x6, v0;
	v14 =	vadd.s32 $0x886, v0  }
0x9: {  	s25 =	simm.s32 $0x0;
	s1 =	sand.u32 $0x1, s1;
	s4 =	sshll.u32 s3, $0x1;
	v15 =	vor.u32 $0x7, v0;
	v16 =	vadd.s32 $0x887, v0;
	v17 =	vadd.s32 $0x1100, v0  }
.Ltmp0:
0xa: {  	s3 =	simm.s32 $0x0;
	s5 =	sadd.s32 $0x19800, s0;
	v18 =	vadd.s32 $0x1980, v0;
	v19 =	vadd.s32 $0x1101, v0;
	v20 =	vadd.s32 $0x1981, v0;
	(pc) =	sbr.rel .LBB2_1-.Ltmp0, $4  }
0xb: {  	s7 =	sor.u32 s1, s4;
	[smem:$0x7FF] =	sst s3;
	s1 =	ssub.s32 $0x2, s1;
	v21 =	vadd.s32 $0x1102, v0;
	v22 =	vadd.s32 $0x1982, v0;
	v23 =	vadd.s32 $0x1103, v0  }
0xc: {  	s4 =	sshll.u32 s7, $0x4;
	_ =	strace $0x80000047;
	s31 =	sshrl.u32 s1, $0x1;
	v24 =	vadd.s32 $0x1983, v0;
	v25 =	vadd.s32 $0x1104, v0;
	v26 =	vadd.s32 $0x1984, v0  }
0xd: {  	v27 =	vadd.s32 $0x1105, v0;
	v28 =	vadd.s32 $0x1985, v0;
	v29 =	vadd.s32 $0x1106, v0;
	s6 =	sadd.s32 s4, s0;
	s4 =	sadd.s32 $0xF42C00, s0;
	s0 =	ssub.s32 s1, s31  }
0xe: {  	s7 =	sshll.u32 s7, $0xA;
	v30 =	vadd.s32 $0x1986, v0;
	v31 =	vadd.s32 $0x1107, v0;
	v32 =	vadd.s32 $0x1987, v0;
	s6 =	sadd.s32 $0x800, s6;
	s8 =	smax.u32 s0, $0x1  }
.LBB2_20:
0xf: {  	s25 =	sadd.s32 $0x1, s25  }
0x10: {  	_ =	swait.ge [sflag:s24], $0x2000;
	p0 =	sne.s32 s25, s8  }
.Ltmp1:
0x11: {  	[sflag:s24] =	ssyncset.done $0x0;
	(pc) =	sbr.rel @!p0 .LBB2_21-.Ltmp1, $4  }
0x12: {  	[sflag:s24] =	ssyncadd.s32 $0xFFFFE000  }
0x13: {  	_ =	swait.ge [sflag:s22], $0x2000  }
0x14: {  	[sflag:s22] =	ssyncset.done $0x0  }
0x15: {  	[sflag:s22] =	ssyncadd.s32 $0xFFFFE000  }
.LBB2_1:
0x16: {  	s0 =	simm.s32 $0x6400  }
0x17: {  	[tilespmem:s0], [sflag:$0x6] =	stream.linear.gather [hbm4b:s5+s3], $0x1900, $0x38;
	[tilespmem:$0x10300] =	vst v63  }
0x18: {  	_ =	swait.ge [sflag:s10], $0x1900  }
0x19: {  	[sflag:s10] =	ssyncset.done $0x0  }
0x1a: {  	s31 =	simm.s32 $0x80;
	[sflag:s10] =	ssyncadd.s32 $0xFFFFE700  }
0x1b: {  	[tilespmem:s3], [sflag:$0x1] =	stream.strided.gather [hbm4b:s6+s31], $0x6400, s12, s31, $0x38;
	[tilespmem:$0x10300] =	vst v63  }
0x1c: {  	_ =	swait.ge [sflag:s13], $0x6400  }
0x1d: {  	[sflag:s13] =	ssyncset.done $0x0  }
0x1e: {  	[sflag:s13] =	ssyncadd.s32 $0xFFFF9C00  }
0x1f: {  	v33 =	vld [tilespmem:$0x0]  }
0x20: {  	v34 =	vld [tilespmem:$0x10]  }
0x21: {  	v35 =	vld [tilespmem:$0x20]  }
0x22: {  	v36 =	vld [tilespmem:$0x30]  }
0x23: {  	v37 =	vld [tilespmem:$0x40]  }
0x24: {  	v61 =	vld [tilespmem:$0x50];
	[tilespmem:$0x10100] =	vst v33  }
0x25: {  	v62 =	vld [tilespmem:$0x60];
	[tilespmem:$0x10110] =	vst v34  }
0x26: {  	v63 =	vld [tilespmem:$0x70];
	[tilespmem:$0x10120] =	vst v35  }
0x27: {  	v40 =	vld [tilespmem:$0x80];
	[tilespmem:$0x10130] =	vst v36  }
0x28: {  	v41 =	vld [tilespmem:$0x90];
	[tilespmem:$0x10140] =	vst v37  }
0x29: {  	v42 =	vld [tilespmem:$0xA0];
	[tilespmem:$0x10150] =	vst v61  }
0x2a: {  	v43 =	vld [tilespmem:$0xB0];
	[tilespmem:$0x10160] =	vst v62  }
0x2b: {  	v44 =	vld [tilespmem:$0xC0];
	[tilespmem:$0x10170] =	vst v63  }
0x2c: {  	v45 =	vld [tilespmem:$0xD0];
	[tilespmem:$0x10180] =	vst v40  }
0x2d: {  	v46 =	vld [tilespmem:$0xE0];
	[tilespmem:$0x10190] =	vst v41  }
0x2e: {  	v47 =	vld [tilespmem:$0xF0];
	[tilespmem:$0x101A0] =	vst v42  }
0x2f: {  	[tilespmem:$0x101B0] =	vst v43  }
0x30: {  	[tilespmem:$0x101C0] =	vst v44  }
0x31: {  	[tilespmem:$0x101D0] =	vst v45  }
0x32: {  	[tilespmem:$0x101E0] =	vst v46  }
0x33: {  	[tilespmem:$0x101F0] =	vst v47  }
0x34: {  	[tilespmem:s16], [sflag:$0x2] =	stream.indirect.gather [hbm4b:s4+s14], $0x20, s15, s14, $0xb8;
	[tilespmem:$0x10300] =	vst v63  }
0x35: {  	v48 =	vld [tilespmem:$0x100]  }
0x36: {  	v49 =	vld [tilespmem:$0x110]  }
0x37: {  	v50 =	vld [tilespmem:$0x120]  }
0x38: {  	v51 =	vld [tilespmem:$0x130]  }
0x39: {  	v52 =	vld [tilespmem:$0x140]  }
0x3a: {  	v53 =	vld [tilespmem:$0x150];
	[tilespmem:$0x10200] =	vst v48  }
0x3b: {  	v54 =	vld [tilespmem:$0x160];
	[tilespmem:$0x10210] =	vst v49  }
0x3c: {  	v55 =	vld [tilespmem:$0x170];
	[tilespmem:$0x10220] =	vst v50  }
0x3d: {  	v56 =	vld [tilespmem:$0x180];
	[tilespmem:$0x10230] =	vst v51  }
0x3e: {  	v57 =	vld [tilespmem:$0x190];
	[tilespmem:$0x10240] =	vst v52  }
0x3f: {  	v58 =	vld [tilespmem:$0x1A0];
	[tilespmem:$0x10250] =	vst v53  }
0x40: {  	v59 =	vld [tilespmem:$0x1B0];
	[tilespmem:$0x10260] =	vst v54  }
0x41: {  	v60 =	vld [tilespmem:$0x1C0];
	[tilespmem:$0x10270] =	vst v55  }
0x42: {  	v61 =	vld [tilespmem:$0x1D0];
	[tilespmem:$0x10280] =	vst v56  }
0x43: {  	v62 =	vld [tilespmem:$0x1E0];
	[tilespmem:$0x10290] =	vst v57  }
0x44: {  	v63 =	vld [tilespmem:$0x1F0];
	[tilespmem:$0x102A0] =	vst v58  }
0x45: {  	[tilespmem:$0x102B0] =	vst v59  }
0x46: {  	[tilespmem:$0x102C0] =	vst v60  }
0x47: {  	[tilespmem:$0x102D0] =	vst v61  }
0x48: {  	[tilespmem:$0x102E0] =	vst v62  }
0x49: {  	s26 =	simm.s32 $0x0;
	[tilespmem:$0x102F0] =	vst v63  }
0x4a: {  	[tilespmem:s18], [sflag:$0x3] =	stream.indirect.gather [hbm4b:s4+s14], $0x20, s17, s14, $0xb8;
	[tilespmem:$0x10300] =	vst v63  }
.LBB2_2:
0x4b: {  	_ =	swait.ge [sflag:s19], $0x2000  }
0x4c: {  	p0 =	seq.s32 s26, $0x0;
	[sflag:s19] =	ssyncset.done $0x0  }
0x4d: {  	s0 =	simm.s32 @!p0 $0x4;
	[sflag:s19] =	ssyncadd.s32 $0xFFFFE000  }
0x4e: {  	s1 =	simm.s32 $0x0;
	_ =	swait.ge @!p0 [sflag:s0], $0x2000  }
0x4f: {  	s9 =	sshll.u32 s26, $0x7;
	v33 =	vmov s1;
	[sflag:s0] =	ssyncset.done @!p0 $0x0  }
0x50: {  	s28 =	sand.u32 $0x3FFFFF80, s9;
	v34 =	vshrl.u32 v33, $0x3;
	[sflag:s0] =	ssyncadd.s32 @!p0 $0xFFFFE000  }
0x51: {  	s30 =	simm.s32 $0x7D80;
	v34 =	vshll.u32 v34, v1;
	v33 =	vld [tilespmem:s28+$0x6400]  }
0x52: {  	v36 =	vbroadcast v34, $0x0;
	v35 =	vld [tilespmem:s30+$0xFFFFFF80];
	_ =	sdelay $0x1  }
0x53: {  	v37 =	vadd.s32 v0, v36;
	_ =	sdelay $0x2  }
0x54: {  	v35 =	vadd.f32 v35, v33;
	_ =	sdelay $0x1  }
0x55: {  	v34 =	vld [tilespmem:s28+$0x6410];
	[tilespmem:v37+s20+$0x0] =	vst.idx.msk $0xffff, v35  }
0x56: {  	v35 =	vld [tilespmem:s30+$0xFFFFFF90];
	_ =	sdelay $0x1  }
0x57: {  	v36 =	vadd.s32 v2, v36;
	_ =	sdelay $0x1  }
0x58: {  	s11 =	simm.s32 $0x1  }
0x59: {  	v42 =	vmov s11;
	v35 =	vadd.f32 v35, v34  }
0x5a: {  	v37 =	vshrl.u32 v42, $0x3  }
0x5b: {  	v43 =	vshll.u32 v37, v1;
	[tilespmem:v36+s20+$0x0] =	vst.idx.msk $0xffff, v35  }
0x5c: {  	v35 =	vbroadcast v43, $0x0;
	v36 =	vld [tilespmem:s30+$0xFFFFFFA0];
	_ =	sdelay $0x1  }
0x5d: {  	v44 =	vadd.s32 v3, v35;
	_ =	sdelay $0x2  }
0x5e: {  	v36 =	vadd.f32 v36, v33;
	_ =	sdelay $0x1  }
0x5f: {  	[tilespmem:v44+s20+$0x0] =	vst.idx.msk $0xffff, v36  }
0x60: {  	v36 =	vld [tilespmem:s30+$0xFFFFFFB0];
	_ =	sdelay $0x1  }
0x61: {  	v35 =	vadd.s32 v4, v35;
	_ =	sdelay $0x1  }
0x62: {  	s1 =	simm.s32 $0x2  }
0x63: {  	v45 =	vmov s1;
	v36 =	vadd.f32 v36, v34  }
0x64: {  	v37 =	vshrl.u32 v45, $0x3  }
0x65: {  	v46 =	vshll.u32 v37, v1;
	[tilespmem:v35+s20+$0x0] =	vst.idx.msk $0xffff, v36  }
0x66: {  	v35 =	vbroadcast v46, $0x0;
	v36 =	vld [tilespmem:s30+$0xFFFFFFC0];
	_ =	sdelay $0x1  }
0x67: {  	v47 =	vadd.s32 v5, v35;
	_ =	sdelay $0x2  }
0x68: {  	v36 =	vadd.f32 v36, v33;
	_ =	sdelay $0x1  }
0x69: {  	[tilespmem:v47+s20+$0x0] =	vst.idx.msk $0xffff, v36  }
0x6a: {  	v36 =	vld [tilespmem:s30+$0xFFFFFFD0];
	_ =	sdelay $0x1  }
0x6b: {  	v35 =	vadd.s32 v6, v35;
	_ =	sdelay $0x1  }
0x6c: {  	s9 =	simm.s32 $0x3  }
0x6d: {  	v48 =	vmov s9;
	v36 =	vadd.f32 v36, v34  }
0x6e: {  	v37 =	vshrl.u32 v48, $0x3  }
0x6f: {  	v49 =	vshll.u32 v37, v1;
	[tilespmem:v35+s20+$0x0] =	vst.idx.msk $0xffff, v36  }
0x70: {  	v35 =	vbroadcast v49, $0x0;
	v36 =	vld [tilespmem:s30+$0xFFFFFFE0];
	_ =	sdelay $0x1  }
0x71: {  	v50 =	vadd.s32 v7, v35;
	_ =	sdelay $0x2  }
0x72: {  	v36 =	vadd.f32 v36, v33;
	_ =	sdelay $0x1  }
0x73: {  	[tilespmem:v50+s20+$0x0] =	vst.idx.msk $0xffff, v36  }
0x74: {  	v36 =	vld [tilespmem:s30+$0xFFFFFFF0];
	_ =	sdelay $0x1  }
0x75: {  	v35 =	vadd.s32 v8, v35;
	_ =	sdelay $0x1  }
0x76: {  	s11 =	simm.s32 $0x4  }
0x77: {  	v51 =	vmov s11;
	v36 =	vadd.f32 v36, v34  }
0x78: {  	v37 =	vshrl.u32 v51, $0x3  }
0x79: {  	v52 =	vshll.u32 v37, v1;
	[tilespmem:v35+s20+$0x0] =	vst.idx.msk $0xffff, v36  }
0x7a: {  	v35 =	vbroadcast v52, $0x0;
	v36 =	vld [tilespmem:s30+$0x0];
	_ =	sdelay $0x1  }
0x7b: {  	v53 =	vadd.s32 v9, v35;
	_ =	sdelay $0x2  }
0x7c: {  	v36 =	vadd.f32 v36, v33;
	_ =	sdelay $0x1  }
0x7d: {  	[tilespmem:v53+s20+$0x0] =	vst.idx.msk $0xffff, v36  }
0x7e: {  	v36 =	vld [tilespmem:s30+$0x10];
	_ =	sdelay $0x1  }
0x7f: {  	v35 =	vadd.s32 v10, v35;
	_ =	sdelay $0x1  }
0x80: {  	s1 =	simm.s32 $0x5  }
0x81: {  	v54 =	vmov s1;
	v36 =	vadd.f32 v36, v34  }
0x82: {  	v37 =	vshrl.u32 v54, $0x3  }
0x83: {  	v55 =	vshll.u32 v37, v1;
	[tilespmem:v35+s20+$0x0] =	vst.idx.msk $0xffff, v36  }
0x84: {  	v35 =	vbroadcast v55, $0x0;
	v36 =	vld [tilespmem:s30+$0x20];
	_ =	sdelay $0x1  }
0x85: {  	v56 =	vadd.s32 v11, v35;
	_ =	sdelay $0x2  }
0x86: {  	v36 =	vadd.f32 v36, v33;
	_ =	sdelay $0x1  }
0x87: {  	[tilespmem:v56+s20+$0x0] =	vst.idx.msk $0xffff, v36  }
0x88: {  	v36 =	vld [tilespmem:s30+$0x30];
	_ =	sdelay $0x1  }
0x89: {  	v35 =	vadd.s32 v12, v35;
	_ =	sdelay $0x1  }
0x8a: {  	s9 =	simm.s32 $0x6  }
0x8b: {  	v57 =	vmov s9;
	v36 =	vadd.f32 v36, v34  }
0x8c: {  	v37 =	vshrl.u32 v57, $0x3  }
0x8d: {  	v58 =	vshll.u32 v37, v1;
	[tilespmem:v35+s20+$0x0] =	vst.idx.msk $0xffff, v36  }
0x8e: {  	v35 =	vbroadcast v58, $0x0;
	v36 =	vld [tilespmem:s30+$0x40];
	_ =	sdelay $0x1  }
0x8f: {  	v59 =	vadd.s32 v13, v35;
	_ =	sdelay $0x2  }
0x90: {  	v36 =	vadd.f32 v36, v33;
	_ =	sdelay $0x1  }
0x91: {  	[tilespmem:v59+s20+$0x0] =	vst.idx.msk $0xffff, v36  }
0x92: {  	v36 =	vld [tilespmem:s30+$0x50];
	_ =	sdelay $0x1  }
0x93: {  	v35 =	vadd.s32 v14, v35;
	_ =	sdelay $0x1  }
0x94: {  	s11 =	simm.s32 $0x7  }
0x95: {  	v60 =	vmov s11;
	v36 =	vadd.f32 v36, v34  }
0x96: {  	v37 =	vshrl.u32 v60, $0x3  }
0x97: {  	v61 =	vshll.u32 v37, v1;
	[tilespmem:v35+s20+$0x0] =	vst.idx.msk $0xffff, v36  }
0x98: {  	v35 =	vbroadcast v61, $0x0;
	v36 =	vld [tilespmem:s30+$0x60];
	_ =	sdelay $0x1  }
0x99: {  	v62 =	vadd.s32 v15, v35;
	_ =	sdelay $0x2  }
0x9a: {  	v36 =	vadd.f32 v36, v33;
	_ =	sdelay $0x1  }
0x9b: {  	[tilespmem:v62+s20+$0x0] =	vst.idx.msk $0xffff, v36  }
0x9c: {  	v36 =	vld [tilespmem:s30+$0x70];
	_ =	sdelay $0x1  }
0x9d: {  	v35 =	vadd.s32 v16, v35  }
0x9e: {  	s31 =	simm.s32 $0x8  }
0x9f: {  	v63 =	vmov s31  }
0xa0: {  	s29 =	sshll.u32 s26, $0x2;
	s1 =	simm.s32 $0x10;
	v37 =	vshrl.u32 v63, $0x3;
	v36 =	vadd.f32 v36, v34  }
.LBB2_3:
0xa1: {  	p1 =	slt.u32 s1, $0x78  }
0xa2: {  	v37 =	vshll.u32 v37, v1;
	[tilespmem:v35+s20+$0x0] =	vst.idx.msk $0xffff, v36;
	s30 =	sadd.s32 $0x100, s30;
	s0 =	smov.u32 s1;
	s1 =	sadd.s32 $0x8, s1  }
0xa3: {  	v35 =	vld [tilespmem:s30+$0xFFFFFF80];
	v36 =	vbroadcast v37, $0x0;
	_ =	sdelay $0x1  }
0xa4: {  	v37 =	vadd.s32 v0, v36;
	_ =	sdelay $0x2  }
0xa5: {  	v35 =	vadd.f32 v35, v33;
	_ =	sdelay $0x1  }
0xa6: {  	[tilespmem:v37+s20+$0x0] =	vst.idx.msk $0xffff, v35  }
0xa7: {  	v35 =	vld [tilespmem:s30+$0xFFFFFF90];
	_ =	sdelay $0x1  }
0xa8: {  	v36 =	vadd.s32 v2, v36;
	_ =	sdelay $0x1  }
0xa9: {  	s9 =	sadd.s32 $0x1, s31  }
0xaa: {  	v37 =	vmov s9;
	v35 =	vadd.f32 v35, v34  }
0xab: {  	v37 =	vshrl.u32 v37, $0x3  }
0xac: {  	[tilespmem:v36+s20+$0x0] =	vst.idx.msk $0xffff, v35;
	v35 =	vshll.u32 v37, v1  }
0xad: {  	v36 =	vld [tilespmem:s30+$0xFFFFFFA0];
	v35 =	vbroadcast v35, $0x0;
	_ =	sdelay $0x1  }
0xae: {  	v37 =	vadd.s32 v3, v35;
	_ =	sdelay $0x2  }
0xaf: {  	v36 =	vadd.f32 v36, v33;
	_ =	sdelay $0x1  }
0xb0: {  	[tilespmem:v37+s20+$0x0] =	vst.idx.msk $0xffff, v36  }
0xb1: {  	v36 =	vld [tilespmem:s30+$0xFFFFFFB0];
	_ =	sdelay $0x1  }
0xb2: {  	v35 =	vadd.s32 v4, v35;
	_ =	sdelay $0x1  }
0xb3: {  	s9 =	sadd.s32 $0x2, s31  }
0xb4: {  	v37 =	vmov s9;
	v36 =	vadd.f32 v36, v34  }
0xb5: {  	v37 =	vshrl.u32 v37, $0x3  }
0xb6: {  	[tilespmem:v35+s20+$0x0] =	vst.idx.msk $0xffff, v36;
	v35 =	vshll.u32 v37, v1  }
0xb7: {  	v36 =	vld [tilespmem:s30+$0xFFFFFFC0];
	v35 =	vbroadcast v35, $0x0;
	_ =	sdelay $0x1  }
0xb8: {  	v37 =	vadd.s32 v5, v35;
	_ =	sdelay $0x2  }
0xb9: {  	v36 =	vadd.f32 v36, v33;
	_ =	sdelay $0x1  }
0xba: {  	[tilespmem:v37+s20+$0x0] =	vst.idx.msk $0xffff, v36  }
0xbb: {  	v36 =	vld [tilespmem:s30+$0xFFFFFFD0];
	_ =	sdelay $0x1  }
0xbc: {  	v35 =	vadd.s32 v6, v35;
	_ =	sdelay $0x1  }
0xbd: {  	s9 =	sadd.s32 $0x3, s31  }
0xbe: {  	v37 =	vmov s9;
	v36 =	vadd.f32 v36, v34  }
0xbf: {  	v37 =	vshrl.u32 v37, $0x3  }
0xc0: {  	[tilespmem:v35+s20+$0x0] =	vst.idx.msk $0xffff, v36;
	v35 =	vshll.u32 v37, v1  }
0xc1: {  	v36 =	vld [tilespmem:s30+$0xFFFFFFE0];
	v35 =	vbroadcast v35, $0x0;
	_ =	sdelay $0x1  }
0xc2: {  	v37 =	vadd.s32 v7, v35;
	_ =	sdelay $0x2  }
0xc3: {  	v36 =	vadd.f32 v36, v33;
	_ =	sdelay $0x1  }
0xc4: {  	[tilespmem:v37+s20+$0x0] =	vst.idx.msk $0xffff, v36  }
0xc5: {  	v36 =	vld [tilespmem:s30+$0xFFFFFFF0];
	_ =	sdelay $0x1  }
0xc6: {  	v35 =	vadd.s32 v8, v35;
	_ =	sdelay $0x1  }
0xc7: {  	s9 =	sadd.s32 $0x4, s31  }
0xc8: {  	v37 =	vmov s9;
	v36 =	vadd.f32 v36, v34  }
0xc9: {  	v37 =	vshrl.u32 v37, $0x3  }
0xca: {  	[tilespmem:v35+s20+$0x0] =	vst.idx.msk $0xffff, v36;
	v35 =	vshll.u32 v37, v1  }
0xcb: {  	v36 =	vld [tilespmem:s30+$0x0];
	v35 =	vbroadcast v35, $0x0;
	_ =	sdelay $0x1  }
0xcc: {  	v37 =	vadd.s32 v9, v35;
	_ =	sdelay $0x2  }
0xcd: {  	v36 =	vadd.f32 v36, v33;
	_ =	sdelay $0x1  }
0xce: {  	[tilespmem:v37+s20+$0x0] =	vst.idx.msk $0xffff, v36  }
0xcf: {  	v36 =	vld [tilespmem:s30+$0x10];
	_ =	sdelay $0x1  }
0xd0: {  	v35 =	vadd.s32 v10, v35;
	_ =	sdelay $0x1  }
0xd1: {  	s9 =	sadd.s32 $0x5, s31  }
0xd2: {  	v37 =	vmov s9;
	v36 =	vadd.f32 v36, v34  }
0xd3: {  	v37 =	vshrl.u32 v37, $0x3  }
0xd4: {  	[tilespmem:v35+s20+$0x0] =	vst.idx.msk $0xffff, v36;
	v35 =	vshll.u32 v37, v1  }
0xd5: {  	v36 =	vld [tilespmem:s30+$0x20];
	v35 =	vbroadcast v35, $0x0;
	_ =	sdelay $0x1  }
0xd6: {  	v37 =	vadd.s32 v11, v35;
	_ =	sdelay $0x2  }
0xd7: {  	v36 =	vadd.f32 v36, v33;
	_ =	sdelay $0x1  }
0xd8: {  	[tilespmem:v37+s20+$0x0] =	vst.idx.msk $0xffff, v36  }
0xd9: {  	v36 =	vld [tilespmem:s30+$0x30];
	_ =	sdelay $0x1  }
0xda: {  	v35 =	vadd.s32 v12, v35;
	_ =	sdelay $0x1  }
0xdb: {  	s9 =	sadd.s32 $0x6, s31  }
0xdc: {  	v37 =	vmov s9;
	v36 =	vadd.f32 v36, v34  }
0xdd: {  	v37 =	vshrl.u32 v37, $0x3  }
0xde: {  	[tilespmem:v35+s20+$0x0] =	vst.idx.msk $0xffff, v36;
	v35 =	vshll.u32 v37, v1  }
0xdf: {  	v36 =	vld [tilespmem:s30+$0x40];
	v35 =	vbroadcast v35, $0x0;
	_ =	sdelay $0x1  }
0xe0: {  	v37 =	vadd.s32 v13, v35;
	_ =	sdelay $0x2  }
0xe1: {  	v36 =	vadd.f32 v36, v33;
	_ =	sdelay $0x1  }
0xe2: {  	[tilespmem:v37+s20+$0x0] =	vst.idx.msk $0xffff, v36  }
0xe3: {  	v36 =	vld [tilespmem:s30+$0x50];
	_ =	sdelay $0x1  }
0xe4: {  	v35 =	vadd.s32 v14, v35;
	_ =	sdelay $0x1  }
0xe5: {  	s9 =	sadd.s32 $0x7, s31;
	s31 =	smov.u32 s0  }
0xe6: {  	v37 =	vmov s9;
	v36 =	vadd.f32 v36, v34  }
0xe7: {  	v37 =	vshrl.u32 v37, $0x3  }
0xe8: {  	[tilespmem:v35+s20+$0x0] =	vst.idx.msk $0xffff, v36;
	v35 =	vshll.u32 v37, v1  }
0xe9: {  	v36 =	vld [tilespmem:s30+$0x60];
	v35 =	vbroadcast v35, $0x0;
	_ =	sdelay $0x1  }
0xea: {  	v37 =	vadd.s32 v15, v35;
	_ =	sdelay $0x2  }
0xeb: {  	v36 =	vadd.f32 v36, v33;
	_ =	sdelay $0x1  }
0xec: {  	[tilespmem:v37+s20+$0x0] =	vst.idx.msk $0xffff, v36  }
0xed: {  	v36 =	vld [tilespmem:s30+$0x70];
	_ =	sdelay $0x1  }
.Ltmp2:
0xee: {  	v35 =	vadd.s32 v16, v35;
	(pc) =	sbr.rel @p1 .LBB2_3-.Ltmp2, $3  }
0xef: {  	_ =	sdelay $0x1  }
0xf0: {  	v37 =	vmov s31;
	v36 =	vadd.f32 v36, v34  }
0xf1: {  	v37 =	vshrl.u32 v37, $0x3  }
0xf2: {  	_ =	sdelay $0x3  }
0xf3: {  	v37 =	vshll.u32 v37, v1;
	[tilespmem:v35+s20+$0x0] =	vst.idx.msk $0xffff, v36;
	s0 =	sadd.s32 $0x100, s30  }
0xf4: {  	v35 =	vld [tilespmem:s0+$0xFFFFFF80];
	v48 =	vbroadcast v37, $0x0;
	_ =	sdelay $0x1  }
0xf5: {  	v37 =	vadd.s32 v0, v48;
	_ =	sdelay $0x2  }
0xf6: {  	v35 =	vadd.f32 v35, v33;
	_ =	sdelay $0x1  }
0xf7: {  	[tilespmem:v37+s20+$0x0] =	vst.idx.msk $0xffff, v35  }
0xf8: {  	v35 =	vld [tilespmem:s0+$0xFFFFFF90];
	_ =	sdelay $0x1  }
0xf9: {  	v36 =	vadd.s32 v2, v48;
	_ =	sdelay $0x1  }
0xfa: {  	s1 =	sadd.s32 $0x1, s31  }
0xfb: {  	v49 =	vmov s1;
	v35 =	vadd.f32 v35, v34  }
0xfc: {  	v37 =	vshrl.u32 v49, $0x3  }
0xfd: {  	v50 =	vshll.u32 v37, v1;
	[tilespmem:v36+s20+$0x0] =	vst.idx.msk $0xffff, v35  }
0xfe: {  	v35 =	vbroadcast v50, $0x0;
	v36 =	vld [tilespmem:s0+$0xFFFFFFA0];
	_ =	sdelay $0x1  }
0xff: {  	v51 =	vadd.s32 v3, v35;
	_ =	sdelay $0x2  }
0x100: {  	v36 =	vadd.f32 v36, v33;
	_ =	sdelay $0x1  }
0x101: {  	[tilespmem:v51+s20+$0x0] =	vst.idx.msk $0xffff, v36  }
0x102: {  	v36 =	vld [tilespmem:s0+$0xFFFFFFB0];
	_ =	sdelay $0x1  }
0x103: {  	v35 =	vadd.s32 v4, v35;
	_ =	sdelay $0x1  }
0x104: {  	s9 =	sadd.s32 $0x2, s31  }
0x105: {  	v52 =	vmov s9;
	v36 =	vadd.f32 v36, v34  }
0x106: {  	v37 =	vshrl.u32 v52, $0x3  }
0x107: {  	v53 =	vshll.u32 v37, v1;
	[tilespmem:v35+s20+$0x0] =	vst.idx.msk $0xffff, v36  }
0x108: {  	v35 =	vbroadcast v53, $0x0;
	v36 =	vld [tilespmem:s0+$0xFFFFFFC0];
	_ =	sdelay $0x1  }
0x109: {  	v54 =	vadd.s32 v5, v35;
	_ =	sdelay $0x2  }
0x10a: {  	v36 =	vadd.f32 v36, v33;
	_ =	sdelay $0x1  }
0x10b: {  	[tilespmem:v54+s20+$0x0] =	vst.idx.msk $0xffff, v36  }
0x10c: {  	v36 =	vld [tilespmem:s0+$0xFFFFFFD0];
	_ =	sdelay $0x1  }
0x10d: {  	v35 =	vadd.s32 v6, v35;
	_ =	sdelay $0x1  }
0x10e: {  	s11 =	sadd.s32 $0x3, s31  }
0x10f: {  	v55 =	vmov s11;
	v36 =	vadd.f32 v36, v34  }
0x110: {  	v37 =	vshrl.u32 v55, $0x3  }
0x111: {  	v56 =	vshll.u32 v37, v1;
	[tilespmem:v35+s20+$0x0] =	vst.idx.msk $0xffff, v36  }
0x112: {  	v35 =	vbroadcast v56, $0x0;
	v36 =	vld [tilespmem:s0+$0xFFFFFFE0];
	_ =	sdelay $0x1  }
0x113: {  	v57 =	vadd.s32 v7, v35;
	_ =	sdelay $0x2  }
0x114: {  	v36 =	vadd.f32 v36, v33;
	_ =	sdelay $0x1  }
0x115: {  	[tilespmem:v57+s20+$0x0] =	vst.idx.msk $0xffff, v36  }
0x116: {  	v36 =	vld [tilespmem:s0+$0xFFFFFFF0];
	_ =	sdelay $0x1  }
0x117: {  	v35 =	vadd.s32 v8, v35;
	_ =	sdelay $0x1  }
0x118: {  	s9 =	sadd.s32 $0x4, s31  }
0x119: {  	v58 =	vmov s9;
	v36 =	vadd.f32 v36, v34  }
0x11a: {  	v37 =	vshrl.u32 v58, $0x3  }
0x11b: {  	v59 =	vshll.u32 v37, v1;
	[tilespmem:v35+s20+$0x0] =	vst.idx.msk $0xffff, v36  }
0x11c: {  	v35 =	vbroadcast v59, $0x0;
	v36 =	vld [tilespmem:s0+$0x0];
	_ =	sdelay $0x1  }
0x11d: {  	v60 =	vadd.s32 v9, v35;
	_ =	sdelay $0x2  }
0x11e: {  	v36 =	vadd.f32 v36, v33;
	_ =	sdelay $0x1  }
0x11f: {  	[tilespmem:v60+s20+$0x0] =	vst.idx.msk $0xffff, v36  }
0x120: {  	v36 =	vld [tilespmem:s0+$0x10];
	_ =	sdelay $0x1  }
0x121: {  	v35 =	vadd.s32 v10, v35;
	_ =	sdelay $0x1  }
0x122: {  	s11 =	sadd.s32 $0x5, s31  }
0x123: {  	v61 =	vmov s11;
	v36 =	vadd.f32 v36, v34  }
0x124: {  	v37 =	vshrl.u32 v61, $0x3  }
0x125: {  	v62 =	vshll.u32 v37, v1;
	[tilespmem:v35+s20+$0x0] =	vst.idx.msk $0xffff, v36  }
0x126: {  	v35 =	vbroadcast v62, $0x0;
	v36 =	vld [tilespmem:s0+$0x20];
	_ =	sdelay $0x1  }
0x127: {  	v63 =	vadd.s32 v11, v35;
	_ =	sdelay $0x2  }
0x128: {  	v36 =	vadd.f32 v36, v33;
	_ =	sdelay $0x1  }
0x129: {  	[tilespmem:v63+s20+$0x0] =	vst.idx.msk $0xffff, v36  }
0x12a: {  	v36 =	vld [tilespmem:s0+$0x30];
	_ =	sdelay $0x1  }
0x12b: {  	v35 =	vadd.s32 v12, v35;
	_ =	sdelay $0x1  }
0x12c: {  	s9 =	sadd.s32 $0x6, s31  }
0x12d: {  	v40 =	vmov s9;
	v36 =	vadd.f32 v36, v34  }
0x12e: {  	v37 =	vshrl.u32 v40, $0x3  }
0x12f: {  	v41 =	vshll.u32 v37, v1;
	[tilespmem:v35+s20+$0x0] =	vst.idx.msk $0xffff, v36  }
0x130: {  	v35 =	vbroadcast v41, $0x0;
	v36 =	vld [tilespmem:s0+$0x40];
	_ =	sdelay $0x1  }
0x131: {  	v42 =	vadd.s32 v13, v35;
	_ =	sdelay $0x2  }
0x132: {  	v36 =	vadd.f32 v36, v33;
	_ =	sdelay $0x1  }
0x133: {  	[tilespmem:v42+s20+$0x0] =	vst.idx.msk $0xffff, v36  }
0x134: {  	v36 =	vld [tilespmem:s0+$0x50];
	_ =	sdelay $0x1  }
0x135: {  	v35 =	vadd.s32 v14, v35;
	_ =	sdelay $0x1  }
0x136: {  	s11 =	sadd.s32 $0x7, s31  }
0x137: {  	v43 =	vmov s11;
	v36 =	vadd.f32 v36, v34  }
0x138: {  	v37 =	vshrl.u32 v43, $0x3  }
0x139: {  	v44 =	vshll.u32 v37, v1;
	[tilespmem:v35+s20+$0x0] =	vst.idx.msk $0xffff, v36  }
0x13a: {  	v35 =	vbroadcast v44, $0x0;
	v36 =	vld [tilespmem:s0+$0x60];
	_ =	sdelay $0x1  }
0x13b: {  	v45 =	vadd.s32 v15, v35;
	_ =	sdelay $0x2  }
0x13c: {  	v46 =	vadd.f32 v36, v33;
	_ =	sdelay $0x1  }
0x13d: {  	[tilespmem:v45+s20+$0x0] =	vst.idx.msk $0xffff, v46  }
0x13e: {  	v33 =	vld [tilespmem:s0+$0x70];
	_ =	sdelay $0x1  }
0x13f: {  	v35 =	vadd.s32 v16, v35;
	_ =	sdelay $0x2  }
0x140: {  	s30 =	simm.s32 $0x0;
	v33 =	vadd.f32 v33, v34  }
0x141: {  	v47 =	vmov s30  }
0x142: {  	v34 =	vshrl.u32 v47, $0x3;
	[tilespmem:v35+s20+$0x0] =	vst.idx.msk $0xffff, v33  }
0x143: {  	s31 =	simm.s32 $0x8DF0;
	v34 =	vshll.u32 v34, $0x3;
	v33 =	vld [tilespmem:s28+$0x6420]  }
0x144: {  	v48 =	vbroadcast v34, $0x0;
	v35 =	vld [tilespmem:s31+$0xFFFFFF10];
	_ =	sdelay $0x1  }
0x145: {  	v49 =	vadd.s32 v17, v48;
	_ =	sdelay $0x2  }
0x146: {  	v35 =	vadd.f32 v35, v33;
	_ =	sdelay $0x1  }
0x147: {  	v34 =	vld [tilespmem:s28+$0x6430];
	[tilespmem:v49+s20+$0x0] =	vst.idx.msk $0xffff, v35  }
0x148: {  	v35 =	vld [tilespmem:s31+$0xFFFFFF20];
	_ =	sdelay $0x1  }
0x149: {  	v50 =	vadd.s32 v18, v48;
	_ =	sdelay $0x2  }
0x14a: {  	v35 =	vadd.f32 v35, v34;
	_ =	sdelay $0x1  }
0x14b: {  	[tilespmem:v50+s20+$0x0] =	vst.idx.msk $0xffff, v35  }
0x14c: {  	v35 =	vld [tilespmem:s31+$0xFFFFFF30];
	_ =	sdelay $0x1  }
0x14d: {  	v51 =	vadd.s32 v19, v48;
	_ =	sdelay $0x2  }
0x14e: {  	v35 =	vadd.f32 v35, v33;
	_ =	sdelay $0x1  }
0x14f: {  	[tilespmem:v51+s20+$0x0] =	vst.idx.msk $0xffff, v35  }
0x150: {  	v35 =	vld [tilespmem:s31+$0xFFFFFF40];
	_ =	sdelay $0x1  }
0x151: {  	v52 =	vadd.s32 v20, v48;
	_ =	sdelay $0x2  }
0x152: {  	v35 =	vadd.f32 v35, v34;
	_ =	sdelay $0x1  }
0x153: {  	[tilespmem:v52+s20+$0x0] =	vst.idx.msk $0xffff, v35  }
0x154: {  	v35 =	vld [tilespmem:s31+$0xFFFFFF50];
	_ =	sdelay $0x1  }
0x155: {  	v53 =	vadd.s32 v21, v48;
	_ =	sdelay $0x2  }
0x156: {  	v35 =	vadd.f32 v35, v33;
	_ =	sdelay $0x1  }
0x157: {  	[tilespmem:v53+s20+$0x0] =	vst.idx.msk $0xffff, v35  }
0x158: {  	v35 =	vld [tilespmem:s31+$0xFFFFFF60];
	_ =	sdelay $0x1  }
0x159: {  	v54 =	vadd.s32 v22, v48;
	_ =	sdelay $0x2  }
0x15a: {  	v35 =	vadd.f32 v35, v34;
	_ =	sdelay $0x1  }
0x15b: {  	[tilespmem:v54+s20+$0x0] =	vst.idx.msk $0xffff, v35  }
0x15c: {  	v35 =	vld [tilespmem:s31+$0xFFFFFF70];
	_ =	sdelay $0x1  }
0x15d: {  	v55 =	vadd.s32 v23, v48;
	_ =	sdelay $0x2  }
0x15e: {  	v35 =	vadd.f32 v35, v33;
	_ =	sdelay $0x1  }
0x15f: {  	[tilespmem:v55+s20+$0x0] =	vst.idx.msk $0xffff, v35  }
0x160: {  	v35 =	vld [tilespmem:s31+$0xFFFFFF80];
	_ =	sdelay $0x1  }
0x161: {  	v56 =	vadd.s32 v24, v48;
	_ =	sdelay $0x2  }
0x162: {  	v35 =	vadd.f32 v35, v34;
	_ =	sdelay $0x1  }
0x163: {  	[tilespmem:v56+s20+$0x0] =	vst.idx.msk $0xffff, v35  }
0x164: {  	v35 =	vld [tilespmem:s31+$0xFFFFFF90];
	_ =	sdelay $0x1  }
0x165: {  	v57 =	vadd.s32 v25, v48;
	_ =	sdelay $0x2  }
0x166: {  	v35 =	vadd.f32 v35, v33;
	_ =	sdelay $0x1  }
0x167: {  	[tilespmem:v57+s20+$0x0] =	vst.idx.msk $0xffff, v35  }
0x168: {  	v35 =	vld [tilespmem:s31+$0xFFFFFFA0];
	_ =	sdelay $0x1  }
0x169: {  	v58 =	vadd.s32 v26, v48;
	_ =	sdelay $0x2  }
0x16a: {  	v35 =	vadd.f32 v35, v34;
	_ =	sdelay $0x1  }
0x16b: {  	[tilespmem:v58+s20+$0x0] =	vst.idx.msk $0xffff, v35  }
0x16c: {  	v35 =	vld [tilespmem:s31+$0xFFFFFFB0];
	_ =	sdelay $0x1  }
0x16d: {  	v59 =	vadd.s32 v27, v48;
	_ =	sdelay $0x2  }
0x16e: {  	v35 =	vadd.f32 v35, v33;
	_ =	sdelay $0x1  }
0x16f: {  	[tilespmem:v59+s20+$0x0] =	vst.idx.msk $0xffff, v35  }
0x170: {  	v35 =	vld [tilespmem:s31+$0xFFFFFFC0];
	_ =	sdelay $0x1  }
0x171: {  	v60 =	vadd.s32 v28, v48;
	_ =	sdelay $0x2  }
0x172: {  	v35 =	vadd.f32 v35, v34;
	_ =	sdelay $0x1  }
0x173: {  	[tilespmem:v60+s20+$0x0] =	vst.idx.msk $0xffff, v35  }
0x174: {  	v35 =	vld [tilespmem:s31+$0xFFFFFFD0];
	_ =	sdelay $0x1  }
0x175: {  	v61 =	vadd.s32 v29, v48;
	_ =	sdelay $0x2  }
0x176: {  	v35 =	vadd.f32 v35, v33;
	_ =	sdelay $0x1  }
0x177: {  	[tilespmem:v61+s20+$0x0] =	vst.idx.msk $0xffff, v35  }
0x178: {  	v35 =	vld [tilespmem:s31+$0xFFFFFFE0];
	_ =	sdelay $0x1  }
0x179: {  	v62 =	vadd.s32 v30, v48;
	_ =	sdelay $0x2  }
0x17a: {  	v35 =	vadd.f32 v35, v34;
	_ =	sdelay $0x1  }
0x17b: {  	[tilespmem:v62+s20+$0x0] =	vst.idx.msk $0xffff, v35  }
0x17c: {  	v35 =	vld [tilespmem:s31+$0xFFFFFFF0];
	_ =	sdelay $0x1  }
0x17d: {  	v63 =	vadd.s32 v31, v48;
	_ =	sdelay $0x2  }
0x17e: {  	v35 =	vadd.f32 v35, v33;
	_ =	sdelay $0x1  }
0x17f: {  	[tilespmem:v63+s20+$0x0] =	vst.idx.msk $0xffff, v35  }
0x180: {  	v36 =	vld [tilespmem:s31+$0x0];
	_ =	sdelay $0x1  }
0x181: {  	v35 =	vadd.s32 v32, v48  }
.LBB2_5:
0x182: {  	_ = 	snop  }
0x183: {  	s30 =	sadd.s32 $0x8, s30  }
0x184: {  	v37 =	vmov s30;
	p1 =	slt.u32 s30, $0x78;
	v36 =	vadd.f32 v36, v34  }
0x185: {  	v37 =	vshrl.u32 v37, $0x3  }
0x186: {  	s31 =	sadd.s32 $0x100, s31;
	v37 =	vshll.u32 v37, $0x3;
	[tilespmem:v35+s20+$0x0] =	vst.idx.msk $0xffff, v36  }
0x187: {  	v35 =	vbroadcast v37, $0x0;
	v36 =	vld [tilespmem:s31+$0xFFFFFF10];
	_ =	sdelay $0x1  }
0x188: {  	v37 =	vadd.s32 v17, v35;
	_ =	sdelay $0x2  }
0x189: {  	v36 =	vadd.f32 v36, v33;
	_ =	sdelay $0x1  }
0x18a: {  	[tilespmem:v37+s20+$0x0] =	vst.idx.msk $0xffff, v36  }
0x18b: {  	v36 =	vld [tilespmem:s31+$0xFFFFFF20];
	_ =	sdelay $0x1  }
0x18c: {  	v37 =	vadd.s32 v18, v35;
	_ =	sdelay $0x2  }
0x18d: {  	v36 =	vadd.f32 v36, v34;
	_ =	sdelay $0x1  }
0x18e: {  	[tilespmem:v37+s20+$0x0] =	vst.idx.msk $0xffff, v36  }
0x18f: {  	v36 =	vld [tilespmem:s31+$0xFFFFFF30];
	_ =	sdelay $0x1  }
0x190: {  	v37 =	vadd.s32 v19, v35;
	_ =	sdelay $0x2  }
0x191: {  	v36 =	vadd.f32 v36, v33;
	_ =	sdelay $0x1  }
0x192: {  	[tilespmem:v37+s20+$0x0] =	vst.idx.msk $0xffff, v36  }
0x193: {  	v36 =	vld [tilespmem:s31+$0xFFFFFF40];
	_ =	sdelay $0x1  }
0x194: {  	v37 =	vadd.s32 v20, v35;
	_ =	sdelay $0x2  }
0x195: {  	v36 =	vadd.f32 v36, v34;
	_ =	sdelay $0x1  }
0x196: {  	[tilespmem:v37+s20+$0x0] =	vst.idx.msk $0xffff, v36  }
0x197: {  	v36 =	vld [tilespmem:s31+$0xFFFFFF50];
	_ =	sdelay $0x1  }
0x198: {  	v37 =	vadd.s32 v21, v35;
	_ =	sdelay $0x2  }
0x199: {  	v36 =	vadd.f32 v36, v33;
	_ =	sdelay $0x1  }
0x19a: {  	[tilespmem:v37+s20+$0x0] =	vst.idx.msk $0xffff, v36  }
0x19b: {  	v36 =	vld [tilespmem:s31+$0xFFFFFF60];
	_ =	sdelay $0x1  }
0x19c: {  	v37 =	vadd.s32 v22, v35;
	_ =	sdelay $0x2  }
0x19d: {  	v36 =	vadd.f32 v36, v34;
	_ =	sdelay $0x1  }
0x19e: {  	[tilespmem:v37+s20+$0x0] =	vst.idx.msk $0xffff, v36  }
0x19f: {  	v36 =	vld [tilespmem:s31+$0xFFFFFF70];
	_ =	sdelay $0x1  }
0x1a0: {  	v37 =	vadd.s32 v23, v35;
	_ =	sdelay $0x2  }
0x1a1: {  	v36 =	vadd.f32 v36, v33;
	_ =	sdelay $0x1  }
0x1a2: {  	[tilespmem:v37+s20+$0x0] =	vst.idx.msk $0xffff, v36  }
0x1a3: {  	v36 =	vld [tilespmem:s31+$0xFFFFFF80];
	_ =	sdelay $0x1  }
0x1a4: {  	v37 =	vadd.s32 v24, v35;
	_ =	sdelay $0x2  }
0x1a5: {  	v36 =	vadd.f32 v36, v34;
	_ =	sdelay $0x1  }
0x1a6: {  	[tilespmem:v37+s20+$0x0] =	vst.idx.msk $0xffff, v36  }
0x1a7: {  	v36 =	vld [tilespmem:s31+$0xFFFFFF90];
	_ =	sdelay $0x1  }
0x1a8: {  	v37 =	vadd.s32 v25, v35;
	_ =	sdelay $0x2  }
0x1a9: {  	v36 =	vadd.f32 v36, v33;
	_ =	sdelay $0x1  }
0x1aa: {  	[tilespmem:v37+s20+$0x0] =	vst.idx.msk $0xffff, v36  }
0x1ab: {  	v36 =	vld [tilespmem:s31+$0xFFFFFFA0];
	_ =	sdelay $0x1  }
0x1ac: {  	v37 =	vadd.s32 v26, v35;
	_ =	sdelay $0x2  }
0x1ad: {  	v36 =	vadd.f32 v36, v34;
	_ =	sdelay $0x1  }
0x1ae: {  	[tilespmem:v37+s20+$0x0] =	vst.idx.msk $0xffff, v36  }
0x1af: {  	v36 =	vld [tilespmem:s31+$0xFFFFFFB0];
	_ =	sdelay $0x1  }
0x1b0: {  	v37 =	vadd.s32 v27, v35;
	_ =	sdelay $0x2  }
0x1b1: {  	v36 =	vadd.f32 v36, v33;
	_ =	sdelay $0x1  }
0x1b2: {  	[tilespmem:v37+s20+$0x0] =	vst.idx.msk $0xffff, v36  }
0x1b3: {  	v36 =	vld [tilespmem:s31+$0xFFFFFFC0];
	_ =	sdelay $0x1  }
0x1b4: {  	v37 =	vadd.s32 v28, v35;
	_ =	sdelay $0x2  }
0x1b5: {  	v36 =	vadd.f32 v36, v34;
	_ =	sdelay $0x1  }
0x1b6: {  	[tilespmem:v37+s20+$0x0] =	vst.idx.msk $0xffff, v36  }
0x1b7: {  	v36 =	vld [tilespmem:s31+$0xFFFFFFD0];
	_ =	sdelay $0x1  }
0x1b8: {  	v37 =	vadd.s32 v29, v35;
	_ =	sdelay $0x2  }
0x1b9: {  	v36 =	vadd.f32 v36, v33;
	_ =	sdelay $0x1  }
0x1ba: {  	[tilespmem:v37+s20+$0x0] =	vst.idx.msk $0xffff, v36  }
0x1bb: {  	v36 =	vld [tilespmem:s31+$0xFFFFFFE0];
	_ =	sdelay $0x1  }
0x1bc: {  	v37 =	vadd.s32 v30, v35;
	_ =	sdelay $0x2  }
0x1bd: {  	v36 =	vadd.f32 v36, v34;
	_ =	sdelay $0x1  }
0x1be: {  	[tilespmem:v37+s20+$0x0] =	vst.idx.msk $0xffff, v36  }
0x1bf: {  	v36 =	vld [tilespmem:s31+$0xFFFFFFF0];
	_ =	sdelay $0x1  }
0x1c0: {  	v37 =	vadd.s32 v31, v35;
	_ =	sdelay $0x2  }
0x1c1: {  	v36 =	vadd.f32 v36, v33  }
.Ltmp3:
0x1c2: {  	(pc) =	sbr.rel @p1 .LBB2_5-.Ltmp3, $3  }
0x1c3: {  	[tilespmem:v37+s20+$0x0] =	vst.idx.msk $0xffff, v36  }
0x1c4: {  	v36 =	vld [tilespmem:s31+$0x0];
	_ =	sdelay $0x1  }
0x1c5: {  	v35 =	vadd.s32 v32, v35  }
0x1c6: {  	_ = 	snop  }
0x1c7: {  	s0 =	sshll.u32 s26, $0x13  }
0x1c8: {  	s0 =	sor.u32 s7, s0;
	v33 =	vadd.f32 v36, v34  }
0x1c9: {  	s0 =	sshrl.u32 s0, $0x3  }
0x1ca: {  	s9 =	simm.s32 $0xBD00;
	s1 =	sadd.s32 s2, s0;
	[tilespmem:v35+s20+$0x0] =	vst.idx.msk $0xffff, v33  }
0x1cb: {  	[hbm4b:s1+s3] =	stream.linear.scatter [tilespmem:s9], [sflag:$0x4], $0x80, $0x38;
	[tilespmem:$0x10300] =	vst v63  }
0x1cc: {  	s11 =	simm.s32 $0xBD88;
	s9 =	sadd.s32 $0x10, s1  }
0x1cd: {  	[hbm4b:s9+s3] =	stream.linear.scatter [tilespmem:s11], [sflag:$0x4], $0x80, $0x38;
	[tilespmem:$0x10300] =	vst v63  }
0x1ce: {  	s9 =	simm.s32 $0xBE10;
	s11 =	sadd.s32 $0x20, s1  }
0x1cf: {  	[hbm4b:s11+s3] =	stream.linear.scatter [tilespmem:s9], [sflag:$0x4], $0x80, $0x38;
	[tilespmem:$0x10300] =	vst v63  }
0x1d0: {  	s9 =	simm.s32 $0xBE98;
	s11 =	sadd.s32 $0x30, s1  }
0x1d1: {  	[hbm4b:s11+s3] =	stream.linear.scatter [tilespmem:s9], [sflag:$0x4], $0x80, $0x38;
	[tilespmem:$0x10300] =	vst v63  }
0x1d2: {  	s9 =	simm.s32 $0xBF20;
	s11 =	sadd.s32 $0x40, s1  }
0x1d3: {  	[hbm4b:s11+s3] =	stream.linear.scatter [tilespmem:s9], [sflag:$0x4], $0x80, $0x38;
	[tilespmem:$0x10300] =	vst v63  }
0x1d4: {  	s30 =	simm.s32 $0x2200;
	s9 =	simm.s32 $0xBFA8;
	s11 =	sadd.s32 $0x50, s1  }
0x1d5: {  	[hbm4b:s11+s3] =	stream.linear.scatter [tilespmem:s9], [sflag:$0x4], $0x80, $0x38;
	[tilespmem:$0x10300] =	vst v63  }
0x1d6: {  	s31 =	simm.s32 $0xC0B8;
	s9 =	simm.s32 $0xC030;
	s11 =	sadd.s32 $0x60, s1  }
0x1d7: {  	[hbm4b:s11+s3] =	stream.linear.scatter [tilespmem:s9], [sflag:$0x4], $0x80, $0x38;
	[tilespmem:$0x10300] =	vst v63  }
0x1d8: {  	s0 =	simm.s32 $0x440;
	s9 =	sadd.s32 $0x70, s1;
	s1 =	sadd.s32 $0x1000, s1  }
.LBB2_7:
0x1d9: {  	[hbm4b:s9+s3] =	stream.linear.scatter [tilespmem:s31], [sflag:$0x4], $0x80, $0x38;
	[tilespmem:$0x10300] =	vst v63  }
0x1da: {  	s9 =	smov.u32 s0;
	s0 =	smov.u32 s30  }
0x1db: {  	s11 =	sadd.s32 $0x1100, s30;
	s0 =	sshra.s32 s0, $0x2;
	s31 =	sadd.s32 $0xBD00, s9  }
0x1dc: {  	[hbm4b:s1+s3] =	stream.linear.scatter [tilespmem:s31], [sflag:$0x4], $0x80, $0x38;
	[tilespmem:$0x10300] =	vst v63  }
0x1dd: {  	p1 =	sne.s32 s30, $0x7700;
	s30 =	sadd.s32 $0xBD88, s9;
	s31 =	sadd.s32 $0x10, s1  }
0x1de: {  	[hbm4b:s31+s3] =	stream.linear.scatter [tilespmem:s30], [sflag:$0x4], $0x80, $0x38;
	[tilespmem:$0x10300] =	vst v63  }
0x1df: {  	s30 =	sadd.s32 $0xBE10, s9;
	s31 =	sadd.s32 $0x20, s1  }
0x1e0: {  	[hbm4b:s31+s3] =	stream.linear.scatter [tilespmem:s30], [sflag:$0x4], $0x80, $0x38;
	[tilespmem:$0x10300] =	vst v63  }
0x1e1: {  	s30 =	sadd.s32 $0xBE98, s9;
	s31 =	sadd.s32 $0x30, s1  }
0x1e2: {  	[hbm4b:s31+s3] =	stream.linear.scatter [tilespmem:s30], [sflag:$0x4], $0x80, $0x38;
	[tilespmem:$0x10300] =	vst v63  }
0x1e3: {  	s30 =	sadd.s32 $0xBF20, s9;
	s31 =	sadd.s32 $0x40, s1  }
0x1e4: {  	[hbm4b:s31+s3] =	stream.linear.scatter [tilespmem:s30], [sflag:$0x4], $0x80, $0x38;
	[tilespmem:$0x10300] =	vst v63  }
0x1e5: {  	s30 =	sadd.s32 $0xBFA8, s9;
	s31 =	sadd.s32 $0x50, s1  }
0x1e6: {  	[hbm4b:s31+s3] =	stream.linear.scatter [tilespmem:s30], [sflag:$0x4], $0x80, $0x38;
	[tilespmem:$0x10300] =	vst v63  }
.Ltmp4:
0x1e7: {  	_ = 	snop;
	(pc) =	sbr.rel @p1 .LBB2_7-.Ltmp4, $4  }
0x1e8: {  	s30 =	sadd.s32 $0xC030, s9;
	s31 =	sadd.s32 $0x60, s1  }
0x1e9: {  	[hbm4b:s31+s3] =	stream.linear.scatter [tilespmem:s30], [sflag:$0x4], $0x80, $0x38;
	[tilespmem:$0x10300] =	vst v63  }
0x1ea: {  	s31 =	sadd.s32 $0xC0B8, s9  }
0x1eb: {  	s9 =	sadd.s32 $0x70, s1;
	s1 =	sadd.s32 $0x1000, s1;
	s30 =	smov.u32 s11  }
0x1ec: {  	[hbm4b:s9+s3] =	stream.linear.scatter [tilespmem:s31], [sflag:$0x4], $0x80, $0x38;
	[tilespmem:$0x10300] =	vst v63  }
0x1ed: {  	s30 =	sadd.s32 $0xBD00, s0  }
0x1ee: {  	[hbm4b:s1+s3] =	stream.linear.scatter [tilespmem:s30], [sflag:$0x4], $0x80, $0x38;
	[tilespmem:$0x10300] =	vst v63  }
0x1ef: {  	s31 =	sadd.s32 $0xBD88, s0;
	s11 =	sadd.s32 $0x10, s1  }
0x1f0: {  	[hbm4b:s11+s3] =	stream.linear.scatter [tilespmem:s31], [sflag:$0x4], $0x80, $0x38;
	[tilespmem:$0x10300] =	vst v63  }
0x1f1: {  	s30 =	sadd.s32 $0xBE10, s0;
	s31 =	sadd.s32 $0x20, s1  }
0x1f2: {  	[hbm4b:s31+s3] =	stream.linear.scatter [tilespmem:s30], [sflag:$0x4], $0x80, $0x38;
	[tilespmem:$0x10300] =	vst v63  }
0x1f3: {  	s30 =	sadd.s32 $0xBE98, s0;
	s31 =	sadd.s32 $0x30, s1  }
0x1f4: {  	[hbm4b:s31+s3] =	stream.linear.scatter [tilespmem:s30], [sflag:$0x4], $0x80, $0x38;
	[tilespmem:$0x10300] =	vst v63  }
0x1f5: {  	s30 =	sadd.s32 $0xBF20, s0;
	s31 =	sadd.s32 $0x40, s1  }
0x1f6: {  	[hbm4b:s31+s3] =	stream.linear.scatter [tilespmem:s30], [sflag:$0x4], $0x80, $0x38;
	[tilespmem:$0x10300] =	vst v63  }
0x1f7: {  	p1 =	sne.s32 s26, $0x31;
	s30 =	sadd.s32 $0xBFA8, s0;
	s31 =	sadd.s32 $0x50, s1  }
0x1f8: {  	[hbm4b:s31+s3] =	stream.linear.scatter [tilespmem:s30], [sflag:$0x4], $0x80, $0x38;
	[tilespmem:$0x10300] =	vst v63  }
.Ltmp5:
0x1f9: {  	_ = 	snop;
	(pc) =	sbr.rel @p1 .LBB2_10-.Ltmp5, $4  }
0x1fa: {  	s30 =	sadd.s32 $0xC030, s0;
	s31 =	sadd.s32 $0x60, s1  }
0x1fb: {  	[hbm4b:s31+s3] =	stream.linear.scatter [tilespmem:s30], [sflag:$0x4], $0x80, $0x38;
	[tilespmem:$0x10300] =	vst v63  }
0x1fc: {  	s30 =	sadd.s32 $0xC0B8, s0;
	s31 =	sadd.s32 $0x70, s1  }
0x1fd: {  	[hbm4b:s31+s3] =	stream.linear.scatter [tilespmem:s30], [sflag:$0x4], $0x80, $0x38;
	[tilespmem:$0x10300] =	vst v63  }
.Ltmp6:
0x1fe: {  	(pc) =	sbr.rel .LBB2_11-.Ltmp6, $4  }
0x1ff: {  	_ = 	snop  }
0x200: {  	_ =	swait.ge [sflag:s21], $0x2000  }
0x201: {  	[sflag:s21] =	ssyncset.done $0x0  }
0x202: {  	[sflag:s21] =	ssyncadd.s32 $0xFFFFE000  }
.LBB2_10:
0x203: {  	s0 =	sshll.u32 s26, $0xB  }
0x204: {  	s0 =	sshra.s32 s0, $0x2  }
0x205: {  	v33 =	vld [tilespmem:s0+$0x200];
	_ =	sdelay $0x4  }
0x206: {  	[tilespmem:$0x10100] =	vst v33  }
0x207: {  	v33 =	vld [tilespmem:s0+$0x210];
	_ =	sdelay $0x4  }
0x208: {  	[tilespmem:$0x10110] =	vst v33  }
0x209: {  	v33 =	vld [tilespmem:s0+$0x220];
	_ =	sdelay $0x4  }
0x20a: {  	[tilespmem:$0x10120] =	vst v33  }
0x20b: {  	v33 =	vld [tilespmem:s0+$0x230];
	_ =	sdelay $0x4  }
0x20c: {  	[tilespmem:$0x10130] =	vst v33  }
0x20d: {  	v33 =	vld [tilespmem:s0+$0x240];
	_ =	sdelay $0x4  }
0x20e: {  	[tilespmem:$0x10140] =	vst v33  }
0x20f: {  	v33 =	vld [tilespmem:s0+$0x250];
	_ =	sdelay $0x4  }
0x210: {  	[tilespmem:$0x10150] =	vst v33  }
0x211: {  	v33 =	vld [tilespmem:s0+$0x260];
	_ =	sdelay $0x4  }
0x212: {  	[tilespmem:$0x10160] =	vst v33  }
0x213: {  	v33 =	vld [tilespmem:s0+$0x270];
	_ =	sdelay $0x4  }
0x214: {  	[tilespmem:$0x10170] =	vst v33  }
0x215: {  	v33 =	vld [tilespmem:s0+$0x280];
	_ =	sdelay $0x4  }
0x216: {  	[tilespmem:$0x10180] =	vst v33  }
0x217: {  	v33 =	vld [tilespmem:s0+$0x290];
	_ =	sdelay $0x4  }
0x218: {  	[tilespmem:$0x10190] =	vst v33  }
0x219: {  	v33 =	vld [tilespmem:s0+$0x2A0];
	_ =	sdelay $0x4  }
0x21a: {  	[tilespmem:$0x101A0] =	vst v33  }
0x21b: {  	v33 =	vld [tilespmem:s0+$0x2B0];
	_ =	sdelay $0x4  }
0x21c: {  	[tilespmem:$0x101B0] =	vst v33  }
0x21d: {  	v33 =	vld [tilespmem:s0+$0x2C0];
	_ =	sdelay $0x4  }
0x21e: {  	[tilespmem:$0x101C0] =	vst v33  }
0x21f: {  	v33 =	vld [tilespmem:s0+$0x2D0];
	_ =	sdelay $0x4  }
0x220: {  	[tilespmem:$0x101D0] =	vst v33  }
0x221: {  	v33 =	vld [tilespmem:s0+$0x2E0];
	_ =	sdelay $0x4  }
0x222: {  	[tilespmem:$0x101E0] =	vst v33  }
0x223: {  	v33 =	vld [tilespmem:s0+$0x2F0];
	_ =	sdelay $0x4  }
.Ltmp7:
0x224: {  	[tilespmem:$0x101F0] =	vst v33;
	(pc) =	sbr.rel @p0 .LBB2_12-.Ltmp7, $4  }
0x225: {  	[tilespmem:s16], [sflag:$0x2] =	stream.indirect.gather [hbm4b:s4+s14], $0x20, s15, s14, $0xb8;
	[tilespmem:$0x10300] =	vst v63  }
0x226: {  	_ =	swait.ge [sflag:s21], $0x2000  }
0x227: {  	[sflag:s21] =	ssyncset.done $0x0  }
0x228: {  	[sflag:s21] =	ssyncadd.s32 $0xFFFFE000  }
.LBB2_11:
0x229: {  	_ =	swait.ge [sflag:s22], $0x2000  }
0x22a: {  	[sflag:s22] =	ssyncset.done $0x0  }
0x22b: {  	[sflag:s22] =	ssyncadd.s32 $0xFFFFE000  }
.LBB2_12:
0x22c: {  	s0 =	simm.s32 $0x0  }
0x22d: {  	s29 =	sor.u32 $0x2, s29;
	v33 =	vmov s0  }
0x22e: {  	s30 =	simm.s32 $0x9D80;
	s1 =	sshll.u32 s29, $0x5;
	v34 =	vshrl.u32 v33, $0x3  }
0x22f: {  	v35 =	vld [tilespmem:s30+$0xFFFFFF80];
	s9 =	sand.u32 $0x3FFFFFE0, s1;
	v34 =	vshll.u32 v34, v1  }
0x230: {  	v33 =	vld [tilespmem:s9+$0x6400];
	v36 =	vbroadcast v34, $0x0;
	_ =	sdelay $0x1  }
0x231: {  	v37 =	vadd.s32 v0, v36;
	_ =	sdelay $0x2  }
0x232: {  	v35 =	vadd.f32 v35, v33;
	_ =	sdelay $0x1  }
0x233: {  	v34 =	vld [tilespmem:s9+$0x6410];
	[tilespmem:v37+s23+$0x0] =	vst.idx.msk $0xffff, v35  }
0x234: {  	v35 =	vld [tilespmem:s30+$0xFFFFFF90];
	_ =	sdelay $0x1  }
0x235: {  	v36 =	vadd.s32 v2, v36;
	_ =	sdelay $0x1  }
0x236: {  	s11 =	simm.s32 $0x1  }
0x237: {  	v42 =	vmov s11;
	v35 =	vadd.f32 v35, v34  }
0x238: {  	v37 =	vshrl.u32 v42, $0x3  }
0x239: {  	v43 =	vshll.u32 v37, v1;
	[tilespmem:v36+s23+$0x0] =	vst.idx.msk $0xffff, v35  }
0x23a: {  	v35 =	vbroadcast v43, $0x0;
	v36 =	vld [tilespmem:s30+$0xFFFFFFA0];
	_ =	sdelay $0x1  }
0x23b: {  	v44 =	vadd.s32 v3, v35;
	_ =	sdelay $0x2  }
0x23c: {  	v36 =	vadd.f32 v36, v33;
	_ =	sdelay $0x1  }
0x23d: {  	[tilespmem:v44+s23+$0x0] =	vst.idx.msk $0xffff, v36  }
0x23e: {  	v36 =	vld [tilespmem:s30+$0xFFFFFFB0];
	_ =	sdelay $0x1  }
0x23f: {  	v35 =	vadd.s32 v4, v35;
	_ =	sdelay $0x1  }
0x240: {  	s1 =	simm.s32 $0x2  }
0x241: {  	v45 =	vmov s1;
	v36 =	vadd.f32 v36, v34  }
0x242: {  	v37 =	vshrl.u32 v45, $0x3  }
0x243: {  	v46 =	vshll.u32 v37, v1;
	[tilespmem:v35+s23+$0x0] =	vst.idx.msk $0xffff, v36  }
0x244: {  	v35 =	vbroadcast v46, $0x0;
	v36 =	vld [tilespmem:s30+$0xFFFFFFC0];
	_ =	sdelay $0x1  }
0x245: {  	v47 =	vadd.s32 v5, v35;
	_ =	sdelay $0x2  }
0x246: {  	v36 =	vadd.f32 v36, v33;
	_ =	sdelay $0x1  }
0x247: {  	[tilespmem:v47+s23+$0x0] =	vst.idx.msk $0xffff, v36  }
0x248: {  	v36 =	vld [tilespmem:s30+$0xFFFFFFD0];
	_ =	sdelay $0x1  }
0x249: {  	v35 =	vadd.s32 v6, v35;
	_ =	sdelay $0x1  }
0x24a: {  	s9 =	simm.s32 $0x3  }
0x24b: {  	v48 =	vmov s9;
	v36 =	vadd.f32 v36, v34  }
0x24c: {  	v37 =	vshrl.u32 v48, $0x3  }
0x24d: {  	v49 =	vshll.u32 v37, v1;
	[tilespmem:v35+s23+$0x0] =	vst.idx.msk $0xffff, v36  }
0x24e: {  	v35 =	vbroadcast v49, $0x0;
	v36 =	vld [tilespmem:s30+$0xFFFFFFE0];
	_ =	sdelay $0x1  }
0x24f: {  	v50 =	vadd.s32 v7, v35;
	_ =	sdelay $0x2  }
0x250: {  	v36 =	vadd.f32 v36, v33;
	_ =	sdelay $0x1  }
0x251: {  	[tilespmem:v50+s23+$0x0] =	vst.idx.msk $0xffff, v36  }
0x252: {  	v36 =	vld [tilespmem:s30+$0xFFFFFFF0];
	_ =	sdelay $0x1  }
0x253: {  	v35 =	vadd.s32 v8, v35;
	_ =	sdelay $0x1  }
0x254: {  	s11 =	simm.s32 $0x4  }
0x255: {  	v51 =	vmov s11;
	v36 =	vadd.f32 v36, v34  }
0x256: {  	v37 =	vshrl.u32 v51, $0x3  }
0x257: {  	v52 =	vshll.u32 v37, v1;
	[tilespmem:v35+s23+$0x0] =	vst.idx.msk $0xffff, v36  }
0x258: {  	v35 =	vbroadcast v52, $0x0;
	v36 =	vld [tilespmem:s30+$0x0];
	_ =	sdelay $0x1  }
0x259: {  	v53 =	vadd.s32 v9, v35;
	_ =	sdelay $0x2  }
0x25a: {  	v36 =	vadd.f32 v36, v33;
	_ =	sdelay $0x1  }
0x25b: {  	[tilespmem:v53+s23+$0x0] =	vst.idx.msk $0xffff, v36  }
0x25c: {  	v36 =	vld [tilespmem:s30+$0x10];
	_ =	sdelay $0x1  }
0x25d: {  	v35 =	vadd.s32 v10, v35;
	_ =	sdelay $0x1  }
0x25e: {  	s1 =	simm.s32 $0x5  }
0x25f: {  	v54 =	vmov s1;
	v36 =	vadd.f32 v36, v34  }
0x260: {  	v37 =	vshrl.u32 v54, $0x3  }
0x261: {  	v55 =	vshll.u32 v37, v1;
	[tilespmem:v35+s23+$0x0] =	vst.idx.msk $0xffff, v36  }
0x262: {  	v35 =	vbroadcast v55, $0x0;
	v36 =	vld [tilespmem:s30+$0x20];
	_ =	sdelay $0x1  }
0x263: {  	v56 =	vadd.s32 v11, v35;
	_ =	sdelay $0x2  }
0x264: {  	v36 =	vadd.f32 v36, v33;
	_ =	sdelay $0x1  }
0x265: {  	[tilespmem:v56+s23+$0x0] =	vst.idx.msk $0xffff, v36  }
0x266: {  	v36 =	vld [tilespmem:s30+$0x30];
	_ =	sdelay $0x1  }
0x267: {  	v35 =	vadd.s32 v12, v35;
	_ =	sdelay $0x1  }
0x268: {  	s9 =	simm.s32 $0x6  }
0x269: {  	v57 =	vmov s9;
	v36 =	vadd.f32 v36, v34  }
0x26a: {  	v37 =	vshrl.u32 v57, $0x3  }
0x26b: {  	v58 =	vshll.u32 v37, v1;
	[tilespmem:v35+s23+$0x0] =	vst.idx.msk $0xffff, v36  }
0x26c: {  	v35 =	vbroadcast v58, $0x0;
	v36 =	vld [tilespmem:s30+$0x40];
	_ =	sdelay $0x1  }
0x26d: {  	v59 =	vadd.s32 v13, v35;
	_ =	sdelay $0x2  }
0x26e: {  	v36 =	vadd.f32 v36, v33;
	_ =	sdelay $0x1  }
0x26f: {  	[tilespmem:v59+s23+$0x0] =	vst.idx.msk $0xffff, v36  }
0x270: {  	v36 =	vld [tilespmem:s30+$0x50];
	_ =	sdelay $0x1  }
0x271: {  	v35 =	vadd.s32 v14, v35;
	_ =	sdelay $0x1  }
0x272: {  	s11 =	simm.s32 $0x7  }
0x273: {  	v60 =	vmov s11;
	v36 =	vadd.f32 v36, v34  }
0x274: {  	v37 =	vshrl.u32 v60, $0x3  }
0x275: {  	v61 =	vshll.u32 v37, v1;
	[tilespmem:v35+s23+$0x0] =	vst.idx.msk $0xffff, v36  }
0x276: {  	v35 =	vbroadcast v61, $0x0;
	v36 =	vld [tilespmem:s30+$0x60];
	_ =	sdelay $0x1  }
0x277: {  	v62 =	vadd.s32 v15, v35;
	_ =	sdelay $0x2  }
0x278: {  	v36 =	vadd.f32 v36, v33;
	_ =	sdelay $0x1  }
0x279: {  	[tilespmem:v62+s23+$0x0] =	vst.idx.msk $0xffff, v36  }
0x27a: {  	v36 =	vld [tilespmem:s30+$0x70];
	_ =	sdelay $0x1  }
0x27b: {  	v35 =	vadd.s32 v16, v35  }
0x27c: {  	s31 =	simm.s32 $0x8  }
0x27d: {  	v63 =	vmov s31  }
0x27e: {  	s1 =	simm.s32 $0x10;
	v37 =	vshrl.u32 v63, $0x3;
	v36 =	vadd.f32 v36, v34  }
.LBB2_13:
0x27f: {  	p0 =	slt.u32 s1, $0x78  }
0x280: {  	v37 =	vshll.u32 v37, v1;
	[tilespmem:v35+s23+$0x0] =	vst.idx.msk $0xffff, v36;
	s30 =	sadd.s32 $0x100, s30;
	s0 =	smov.u32 s1;
	s1 =	sadd.s32 $0x8, s1  }
0x281: {  	v35 =	vld [tilespmem:s30+$0xFFFFFF80];
	v36 =	vbroadcast v37, $0x0;
	_ =	sdelay $0x1  }
0x282: {  	v37 =	vadd.s32 v0, v36;
	_ =	sdelay $0x2  }
0x283: {  	v35 =	vadd.f32 v35, v33;
	_ =	sdelay $0x1  }
0x284: {  	[tilespmem:v37+s23+$0x0] =	vst.idx.msk $0xffff, v35  }
0x285: {  	v35 =	vld [tilespmem:s30+$0xFFFFFF90];
	_ =	sdelay $0x1  }
0x286: {  	v36 =	vadd.s32 v2, v36;
	_ =	sdelay $0x1  }
0x287: {  	s9 =	sadd.s32 $0x1, s31  }
0x288: {  	v37 =	vmov s9;
	v35 =	vadd.f32 v35, v34  }
0x289: {  	v37 =	vshrl.u32 v37, $0x3  }
0x28a: {  	[tilespmem:v36+s23+$0x0] =	vst.idx.msk $0xffff, v35;
	v35 =	vshll.u32 v37, v1  }
0x28b: {  	v36 =	vld [tilespmem:s30+$0xFFFFFFA0];
	v35 =	vbroadcast v35, $0x0;
	_ =	sdelay $0x1  }
0x28c: {  	v37 =	vadd.s32 v3, v35;
	_ =	sdelay $0x2  }
0x28d: {  	v36 =	vadd.f32 v36, v33;
	_ =	sdelay $0x1  }
0x28e: {  	[tilespmem:v37+s23+$0x0] =	vst.idx.msk $0xffff, v36  }
0x28f: {  	v36 =	vld [tilespmem:s30+$0xFFFFFFB0];
	_ =	sdelay $0x1  }
0x290: {  	v35 =	vadd.s32 v4, v35;
	_ =	sdelay $0x1  }
0x291: {  	s9 =	sadd.s32 $0x2, s31  }
0x292: {  	v37 =	vmov s9;
	v36 =	vadd.f32 v36, v34  }
0x293: {  	v37 =	vshrl.u32 v37, $0x3  }
0x294: {  	[tilespmem:v35+s23+$0x0] =	vst.idx.msk $0xffff, v36;
	v35 =	vshll.u32 v37, v1  }
0x295: {  	v36 =	vld [tilespmem:s30+$0xFFFFFFC0];
	v35 =	vbroadcast v35, $0x0;
	_ =	sdelay $0x1  }
0x296: {  	v37 =	vadd.s32 v5, v35;
	_ =	sdelay $0x2  }
0x297: {  	v36 =	vadd.f32 v36, v33;
	_ =	sdelay $0x1  }
0x298: {  	[tilespmem:v37+s23+$0x0] =	vst.idx.msk $0xffff, v36  }
0x299: {  	v36 =	vld [tilespmem:s30+$0xFFFFFFD0];
	_ =	sdelay $0x1  }
0x29a: {  	v35 =	vadd.s32 v6, v35;
	_ =	sdelay $0x1  }
0x29b: {  	s9 =	sadd.s32 $0x3, s31  }
0x29c: {  	v37 =	vmov s9;
	v36 =	vadd.f32 v36, v34  }
0x29d: {  	v37 =	vshrl.u32 v37, $0x3  }
0x29e: {  	[tilespmem:v35+s23+$0x0] =	vst.idx.msk $0xffff, v36;
	v35 =	vshll.u32 v37, v1  }
0x29f: {  	v36 =	vld [tilespmem:s30+$0xFFFFFFE0];
	v35 =	vbroadcast v35, $0x0;
	_ =	sdelay $0x1  }
0x2a0: {  	v37 =	vadd.s32 v7, v35;
	_ =	sdelay $0x2  }
0x2a1: {  	v36 =	vadd.f32 v36, v33;
	_ =	sdelay $0x1  }
0x2a2: {  	[tilespmem:v37+s23+$0x0] =	vst.idx.msk $0xffff, v36  }
0x2a3: {  	v36 =	vld [tilespmem:s30+$0xFFFFFFF0];
	_ =	sdelay $0x1  }
0x2a4: {  	v35 =	vadd.s32 v8, v35;
	_ =	sdelay $0x1  }
0x2a5: {  	s9 =	sadd.s32 $0x4, s31  }
0x2a6: {  	v37 =	vmov s9;
	v36 =	vadd.f32 v36, v34  }
0x2a7: {  	v37 =	vshrl.u32 v37, $0x3  }
0x2a8: {  	[tilespmem:v35+s23+$0x0] =	vst.idx.msk $0xffff, v36;
	v35 =	vshll.u32 v37, v1  }
0x2a9: {  	v36 =	vld [tilespmem:s30+$0x0];
	v35 =	vbroadcast v35, $0x0;
	_ =	sdelay $0x1  }
0x2aa: {  	v37 =	vadd.s32 v9, v35;
	_ =	sdelay $0x2  }
0x2ab: {  	v36 =	vadd.f32 v36, v33;
	_ =	sdelay $0x1  }
0x2ac: {  	[tilespmem:v37+s23+$0x0] =	vst.idx.msk $0xffff, v36  }
0x2ad: {  	v36 =	vld [tilespmem:s30+$0x10];
	_ =	sdelay $0x1  }
0x2ae: {  	v35 =	vadd.s32 v10, v35;
	_ =	sdelay $0x1  }
0x2af: {  	s9 =	sadd.s32 $0x5, s31  }
0x2b0: {  	v37 =	vmov s9;
	v36 =	vadd.f32 v36, v34  }
0x2b1: {  	v37 =	vshrl.u32 v37, $0x3  }
0x2b2: {  	[tilespmem:v35+s23+$0x0] =	vst.idx.msk $0xffff, v36;
	v35 =	vshll.u32 v37, v1  }
0x2b3: {  	v36 =	vld [tilespmem:s30+$0x20];
	v35 =	vbroadcast v35, $0x0;
	_ =	sdelay $0x1  }
0x2b4: {  	v37 =	vadd.s32 v11, v35;
	_ =	sdelay $0x2  }
0x2b5: {  	v36 =	vadd.f32 v36, v33;
	_ =	sdelay $0x1  }
0x2b6: {  	[tilespmem:v37+s23+$0x0] =	vst.idx.msk $0xffff, v36  }
0x2b7: {  	v36 =	vld [tilespmem:s30+$0x30];
	_ =	sdelay $0x1  }
0x2b8: {  	v35 =	vadd.s32 v12, v35;
	_ =	sdelay $0x1  }
0x2b9: {  	s9 =	sadd.s32 $0x6, s31  }
0x2ba: {  	v37 =	vmov s9;
	v36 =	vadd.f32 v36, v34  }
0x2bb: {  	v37 =	vshrl.u32 v37, $0x3  }
0x2bc: {  	[tilespmem:v35+s23+$0x0] =	vst.idx.msk $0xffff, v36;
	v35 =	vshll.u32 v37, v1  }
0x2bd: {  	v36 =	vld [tilespmem:s30+$0x40];
	v35 =	vbroadcast v35, $0x0;
	_ =	sdelay $0x1  }
0x2be: {  	v37 =	vadd.s32 v13, v35;
	_ =	sdelay $0x2  }
0x2bf: {  	v36 =	vadd.f32 v36, v33;
	_ =	sdelay $0x1  }
0x2c0: {  	[tilespmem:v37+s23+$0x0] =	vst.idx.msk $0xffff, v36  }
0x2c1: {  	v36 =	vld [tilespmem:s30+$0x50];
	_ =	sdelay $0x1  }
0x2c2: {  	v35 =	vadd.s32 v14, v35;
	_ =	sdelay $0x1  }
0x2c3: {  	s9 =	sadd.s32 $0x7, s31;
	s31 =	smov.u32 s0  }
0x2c4: {  	v37 =	vmov s9;
	v36 =	vadd.f32 v36, v34  }
0x2c5: {  	v37 =	vshrl.u32 v37, $0x3  }
0x2c6: {  	[tilespmem:v35+s23+$0x0] =	vst.idx.msk $0xffff, v36;
	v35 =	vshll.u32 v37, v1  }
0x2c7: {  	v36 =	vld [tilespmem:s30+$0x60];
	v35 =	vbroadcast v35, $0x0;
	_ =	sdelay $0x1  }
0x2c8: {  	v37 =	vadd.s32 v15, v35;
	_ =	sdelay $0x2  }
0x2c9: {  	v36 =	vadd.f32 v36, v33;
	_ =	sdelay $0x1  }
0x2ca: {  	[tilespmem:v37+s23+$0x0] =	vst.idx.msk $0xffff, v36  }
0x2cb: {  	v36 =	vld [tilespmem:s30+$0x70];
	_ =	sdelay $0x1  }
.Ltmp8:
0x2cc: {  	v35 =	vadd.s32 v16, v35;
	(pc) =	sbr.rel @p0 .LBB2_13-.Ltmp8, $3  }
0x2cd: {  	_ =	sdelay $0x1  }
0x2ce: {  	v37 =	vmov s31;
	v36 =	vadd.f32 v36, v34  }
0x2cf: {  	v37 =	vshrl.u32 v37, $0x3  }
0x2d0: {  	_ =	sdelay $0x3  }
0x2d1: {  	v37 =	vshll.u32 v37, v1;
	[tilespmem:v35+s23+$0x0] =	vst.idx.msk $0xffff, v36;
	s0 =	sadd.s32 $0x100, s30  }
0x2d2: {  	v35 =	vld [tilespmem:s0+$0xFFFFFF80];
	v48 =	vbroadcast v37, $0x0;
	_ =	sdelay $0x1  }
0x2d3: {  	v37 =	vadd.s32 v0, v48;
	_ =	sdelay $0x2  }
0x2d4: {  	v35 =	vadd.f32 v35, v33;
	_ =	sdelay $0x1  }
0x2d5: {  	[tilespmem:v37+s23+$0x0] =	vst.idx.msk $0xffff, v35  }
0x2d6: {  	v35 =	vld [tilespmem:s0+$0xFFFFFF90];
	_ =	sdelay $0x1  }
0x2d7: {  	v36 =	vadd.s32 v2, v48;
	_ =	sdelay $0x1  }
0x2d8: {  	s1 =	sadd.s32 $0x1, s31  }
0x2d9: {  	v49 =	vmov s1;
	v35 =	vadd.f32 v35, v34  }
0x2da: {  	v37 =	vshrl.u32 v49, $0x3  }
0x2db: {  	v50 =	vshll.u32 v37, v1;
	[tilespmem:v36+s23+$0x0] =	vst.idx.msk $0xffff, v35  }
0x2dc: {  	v35 =	vbroadcast v50, $0x0;
	v36 =	vld [tilespmem:s0+$0xFFFFFFA0];
	_ =	sdelay $0x1  }
0x2dd: {  	v51 =	vadd.s32 v3, v35;
	_ =	sdelay $0x2  }
0x2de: {  	v36 =	vadd.f32 v36, v33;
	_ =	sdelay $0x1  }
0x2df: {  	[tilespmem:v51+s23+$0x0] =	vst.idx.msk $0xffff, v36  }
0x2e0: {  	v36 =	vld [tilespmem:s0+$0xFFFFFFB0];
	_ =	sdelay $0x1  }
0x2e1: {  	v35 =	vadd.s32 v4, v35;
	_ =	sdelay $0x1  }
0x2e2: {  	s9 =	sadd.s32 $0x2, s31  }
0x2e3: {  	v52 =	vmov s9;
	v36 =	vadd.f32 v36, v34  }
0x2e4: {  	v37 =	vshrl.u32 v52, $0x3  }
0x2e5: {  	v53 =	vshll.u32 v37, v1;
	[tilespmem:v35+s23+$0x0] =	vst.idx.msk $0xffff, v36  }
0x2e6: {  	v35 =	vbroadcast v53, $0x0;
	v36 =	vld [tilespmem:s0+$0xFFFFFFC0];
	_ =	sdelay $0x1  }
0x2e7: {  	v54 =	vadd.s32 v5, v35;
	_ =	sdelay $0x2  }
0x2e8: {  	v36 =	vadd.f32 v36, v33;
	_ =	sdelay $0x1  }
0x2e9: {  	[tilespmem:v54+s23+$0x0] =	vst.idx.msk $0xffff, v36  }
0x2ea: {  	v36 =	vld [tilespmem:s0+$0xFFFFFFD0];
	_ =	sdelay $0x1  }
0x2eb: {  	v35 =	vadd.s32 v6, v35;
	_ =	sdelay $0x1  }
0x2ec: {  	s11 =	sadd.s32 $0x3, s31  }
0x2ed: {  	v55 =	vmov s11;
	v36 =	vadd.f32 v36, v34  }
0x2ee: {  	v37 =	vshrl.u32 v55, $0x3  }
0x2ef: {  	v56 =	vshll.u32 v37, v1;
	[tilespmem:v35+s23+$0x0] =	vst.idx.msk $0xffff, v36  }
0x2f0: {  	v35 =	vbroadcast v56, $0x0;
	v36 =	vld [tilespmem:s0+$0xFFFFFFE0];
	_ =	sdelay $0x1  }
0x2f1: {  	v57 =	vadd.s32 v7, v35;
	_ =	sdelay $0x2  }
0x2f2: {  	v36 =	vadd.f32 v36, v33;
	_ =	sdelay $0x1  }
0x2f3: {  	[tilespmem:v57+s23+$0x0] =	vst.idx.msk $0xffff, v36  }
0x2f4: {  	v36 =	vld [tilespmem:s0+$0xFFFFFFF0];
	_ =	sdelay $0x1  }
0x2f5: {  	v35 =	vadd.s32 v8, v35;
	_ =	sdelay $0x1  }
0x2f6: {  	s9 =	sadd.s32 $0x4, s31  }
0x2f7: {  	v58 =	vmov s9;
	v36 =	vadd.f32 v36, v34  }
0x2f8: {  	v37 =	vshrl.u32 v58, $0x3  }
0x2f9: {  	v59 =	vshll.u32 v37, v1;
	[tilespmem:v35+s23+$0x0] =	vst.idx.msk $0xffff, v36  }
0x2fa: {  	v35 =	vbroadcast v59, $0x0;
	v36 =	vld [tilespmem:s0+$0x0];
	_ =	sdelay $0x1  }
0x2fb: {  	v60 =	vadd.s32 v9, v35;
	_ =	sdelay $0x2  }
0x2fc: {  	v36 =	vadd.f32 v36, v33;
	_ =	sdelay $0x1  }
0x2fd: {  	[tilespmem:v60+s23+$0x0] =	vst.idx.msk $0xffff, v36  }
0x2fe: {  	v36 =	vld [tilespmem:s0+$0x10];
	_ =	sdelay $0x1  }
0x2ff: {  	v35 =	vadd.s32 v10, v35;
	_ =	sdelay $0x1  }
0x300: {  	s11 =	sadd.s32 $0x5, s31  }
0x301: {  	v61 =	vmov s11;
	v36 =	vadd.f32 v36, v34  }
0x302: {  	v37 =	vshrl.u32 v61, $0x3  }
0x303: {  	v62 =	vshll.u32 v37, v1;
	[tilespmem:v35+s23+$0x0] =	vst.idx.msk $0xffff, v36  }
0x304: {  	v35 =	vbroadcast v62, $0x0;
	v36 =	vld [tilespmem:s0+$0x20];
	_ =	sdelay $0x1  }
0x305: {  	v63 =	vadd.s32 v11, v35;
	_ =	sdelay $0x2  }
0x306: {  	v36 =	vadd.f32 v36, v33;
	_ =	sdelay $0x1  }
0x307: {  	[tilespmem:v63+s23+$0x0] =	vst.idx.msk $0xffff, v36  }
0x308: {  	v36 =	vld [tilespmem:s0+$0x30];
	_ =	sdelay $0x1  }
0x309: {  	v35 =	vadd.s32 v12, v35;
	_ =	sdelay $0x1  }
0x30a: {  	s9 =	sadd.s32 $0x6, s31  }
0x30b: {  	v40 =	vmov s9;
	v36 =	vadd.f32 v36, v34  }
0x30c: {  	v37 =	vshrl.u32 v40, $0x3  }
0x30d: {  	v41 =	vshll.u32 v37, v1;
	[tilespmem:v35+s23+$0x0] =	vst.idx.msk $0xffff, v36  }
0x30e: {  	v35 =	vbroadcast v41, $0x0;
	v36 =	vld [tilespmem:s0+$0x40];
	_ =	sdelay $0x1  }
0x30f: {  	v42 =	vadd.s32 v13, v35;
	_ =	sdelay $0x2  }
0x310: {  	v36 =	vadd.f32 v36, v33;
	_ =	sdelay $0x1  }
0x311: {  	[tilespmem:v42+s23+$0x0] =	vst.idx.msk $0xffff, v36  }
0x312: {  	v36 =	vld [tilespmem:s0+$0x50];
	_ =	sdelay $0x1  }
0x313: {  	v35 =	vadd.s32 v14, v35;
	_ =	sdelay $0x1  }
0x314: {  	s11 =	sadd.s32 $0x7, s31  }
0x315: {  	v43 =	vmov s11;
	v36 =	vadd.f32 v36, v34  }
0x316: {  	v37 =	vshrl.u32 v43, $0x3  }
0x317: {  	v44 =	vshll.u32 v37, v1;
	[tilespmem:v35+s23+$0x0] =	vst.idx.msk $0xffff, v36  }
0x318: {  	v35 =	vbroadcast v44, $0x0;
	v36 =	vld [tilespmem:s0+$0x60];
	_ =	sdelay $0x1  }
0x319: {  	v45 =	vadd.s32 v15, v35;
	_ =	sdelay $0x2  }
0x31a: {  	v46 =	vadd.f32 v36, v33;
	_ =	sdelay $0x1  }
0x31b: {  	[tilespmem:v45+s23+$0x0] =	vst.idx.msk $0xffff, v46  }
0x31c: {  	v33 =	vld [tilespmem:s0+$0x70];
	_ =	sdelay $0x1  }
0x31d: {  	v35 =	vadd.s32 v16, v35;
	_ =	sdelay $0x2  }
0x31e: {  	s30 =	simm.s32 $0x0;
	v33 =	vadd.f32 v33, v34  }
0x31f: {  	v47 =	vmov s30  }
0x320: {  	v34 =	vshrl.u32 v47, $0x3;
	[tilespmem:v35+s23+$0x0] =	vst.idx.msk $0xffff, v33  }
0x321: {  	s31 =	simm.s32 $0xADF0;
	v34 =	vshll.u32 v34, $0x3;
	v33 =	vld [tilespmem:s28+$0x6460]  }
0x322: {  	v48 =	vbroadcast v34, $0x0;
	v35 =	vld [tilespmem:s31+$0xFFFFFF10];
	_ =	sdelay $0x1  }
0x323: {  	v49 =	vadd.s32 v17, v48;
	_ =	sdelay $0x2  }
0x324: {  	v35 =	vadd.f32 v35, v33;
	_ =	sdelay $0x1  }
0x325: {  	v34 =	vld [tilespmem:s28+$0x6470];
	[tilespmem:v49+s23+$0x0] =	vst.idx.msk $0xffff, v35  }
0x326: {  	v35 =	vld [tilespmem:s31+$0xFFFFFF20];
	_ =	sdelay $0x1  }
0x327: {  	v50 =	vadd.s32 v18, v48;
	_ =	sdelay $0x2  }
0x328: {  	v35 =	vadd.f32 v35, v34;
	_ =	sdelay $0x1  }
0x329: {  	[tilespmem:v50+s23+$0x0] =	vst.idx.msk $0xffff, v35  }
0x32a: {  	v35 =	vld [tilespmem:s31+$0xFFFFFF30];
	_ =	sdelay $0x1  }
0x32b: {  	v51 =	vadd.s32 v19, v48;
	_ =	sdelay $0x2  }
0x32c: {  	v35 =	vadd.f32 v35, v33;
	_ =	sdelay $0x1  }
0x32d: {  	[tilespmem:v51+s23+$0x0] =	vst.idx.msk $0xffff, v35  }
0x32e: {  	v35 =	vld [tilespmem:s31+$0xFFFFFF40];
	_ =	sdelay $0x1  }
0x32f: {  	v52 =	vadd.s32 v20, v48;
	_ =	sdelay $0x2  }
0x330: {  	v35 =	vadd.f32 v35, v34;
	_ =	sdelay $0x1  }
0x331: {  	[tilespmem:v52+s23+$0x0] =	vst.idx.msk $0xffff, v35  }
0x332: {  	v35 =	vld [tilespmem:s31+$0xFFFFFF50];
	_ =	sdelay $0x1  }
0x333: {  	v53 =	vadd.s32 v21, v48;
	_ =	sdelay $0x2  }
0x334: {  	v35 =	vadd.f32 v35, v33;
	_ =	sdelay $0x1  }
0x335: {  	[tilespmem:v53+s23+$0x0] =	vst.idx.msk $0xffff, v35  }
0x336: {  	v35 =	vld [tilespmem:s31+$0xFFFFFF60];
	_ =	sdelay $0x1  }
0x337: {  	v54 =	vadd.s32 v22, v48;
	_ =	sdelay $0x2  }
0x338: {  	v35 =	vadd.f32 v35, v34;
	_ =	sdelay $0x1  }
0x339: {  	[tilespmem:v54+s23+$0x0] =	vst.idx.msk $0xffff, v35  }
0x33a: {  	v35 =	vld [tilespmem:s31+$0xFFFFFF70];
	_ =	sdelay $0x1  }
0x33b: {  	v55 =	vadd.s32 v23, v48;
	_ =	sdelay $0x2  }
0x33c: {  	v35 =	vadd.f32 v35, v33;
	_ =	sdelay $0x1  }
0x33d: {  	[tilespmem:v55+s23+$0x0] =	vst.idx.msk $0xffff, v35  }
0x33e: {  	v35 =	vld [tilespmem:s31+$0xFFFFFF80];
	_ =	sdelay $0x1  }
0x33f: {  	v56 =	vadd.s32 v24, v48;
	_ =	sdelay $0x2  }
0x340: {  	v35 =	vadd.f32 v35, v34;
	_ =	sdelay $0x1  }
0x341: {  	[tilespmem:v56+s23+$0x0] =	vst.idx.msk $0xffff, v35  }
0x342: {  	v35 =	vld [tilespmem:s31+$0xFFFFFF90];
	_ =	sdelay $0x1  }
0x343: {  	v57 =	vadd.s32 v25, v48;
	_ =	sdelay $0x2  }
0x344: {  	v35 =	vadd.f32 v35, v33;
	_ =	sdelay $0x1  }
0x345: {  	[tilespmem:v57+s23+$0x0] =	vst.idx.msk $0xffff, v35  }
0x346: {  	v35 =	vld [tilespmem:s31+$0xFFFFFFA0];
	_ =	sdelay $0x1  }
0x347: {  	v58 =	vadd.s32 v26, v48;
	_ =	sdelay $0x2  }
0x348: {  	v35 =	vadd.f32 v35, v34;
	_ =	sdelay $0x1  }
0x349: {  	[tilespmem:v58+s23+$0x0] =	vst.idx.msk $0xffff, v35  }
0x34a: {  	v35 =	vld [tilespmem:s31+$0xFFFFFFB0];
	_ =	sdelay $0x1  }
0x34b: {  	v59 =	vadd.s32 v27, v48;
	_ =	sdelay $0x2  }
0x34c: {  	v35 =	vadd.f32 v35, v33;
	_ =	sdelay $0x1  }
0x34d: {  	[tilespmem:v59+s23+$0x0] =	vst.idx.msk $0xffff, v35  }
0x34e: {  	v35 =	vld [tilespmem:s31+$0xFFFFFFC0];
	_ =	sdelay $0x1  }
0x34f: {  	v60 =	vadd.s32 v28, v48;
	_ =	sdelay $0x2  }
0x350: {  	v35 =	vadd.f32 v35, v34;
	_ =	sdelay $0x1  }
0x351: {  	[tilespmem:v60+s23+$0x0] =	vst.idx.msk $0xffff, v35  }
0x352: {  	v35 =	vld [tilespmem:s31+$0xFFFFFFD0];
	_ =	sdelay $0x1  }
0x353: {  	v61 =	vadd.s32 v29, v48;
	_ =	sdelay $0x2  }
0x354: {  	v35 =	vadd.f32 v35, v33;
	_ =	sdelay $0x1  }
0x355: {  	[tilespmem:v61+s23+$0x0] =	vst.idx.msk $0xffff, v35  }
0x356: {  	v35 =	vld [tilespmem:s31+$0xFFFFFFE0];
	_ =	sdelay $0x1  }
0x357: {  	v62 =	vadd.s32 v30, v48;
	_ =	sdelay $0x2  }
0x358: {  	v35 =	vadd.f32 v35, v34;
	_ =	sdelay $0x1  }
0x359: {  	[tilespmem:v62+s23+$0x0] =	vst.idx.msk $0xffff, v35  }
0x35a: {  	v35 =	vld [tilespmem:s31+$0xFFFFFFF0];
	_ =	sdelay $0x1  }
0x35b: {  	v63 =	vadd.s32 v31, v48;
	_ =	sdelay $0x2  }
0x35c: {  	v35 =	vadd.f32 v35, v33;
	_ =	sdelay $0x1  }
0x35d: {  	[tilespmem:v63+s23+$0x0] =	vst.idx.msk $0xffff, v35  }
0x35e: {  	v36 =	vld [tilespmem:s31+$0x0];
	_ =	sdelay $0x1  }
0x35f: {  	v35 =	vadd.s32 v32, v48  }
.LBB2_15:
0x360: {  	_ = 	snop  }
0x361: {  	s30 =	sadd.s32 $0x8, s30  }
0x362: {  	v37 =	vmov s30;
	p0 =	slt.u32 s30, $0x78;
	v36 =	vadd.f32 v36, v34  }
0x363: {  	v37 =	vshrl.u32 v37, $0x3  }
0x364: {  	s31 =	sadd.s32 $0x100, s31;
	v37 =	vshll.u32 v37, $0x3;
	[tilespmem:v35+s23+$0x0] =	vst.idx.msk $0xffff, v36  }
0x365: {  	v35 =	vbroadcast v37, $0x0;
	v36 =	vld [tilespmem:s31+$0xFFFFFF10];
	_ =	sdelay $0x1  }
0x366: {  	v37 =	vadd.s32 v17, v35;
	_ =	sdelay $0x2  }
0x367: {  	v36 =	vadd.f32 v36, v33;
	_ =	sdelay $0x1  }
0x368: {  	[tilespmem:v37+s23+$0x0] =	vst.idx.msk $0xffff, v36  }
0x369: {  	v36 =	vld [tilespmem:s31+$0xFFFFFF20];
	_ =	sdelay $0x1  }
0x36a: {  	v37 =	vadd.s32 v18, v35;
	_ =	sdelay $0x2  }
0x36b: {  	v36 =	vadd.f32 v36, v34;
	_ =	sdelay $0x1  }
0x36c: {  	[tilespmem:v37+s23+$0x0] =	vst.idx.msk $0xffff, v36  }
0x36d: {  	v36 =	vld [tilespmem:s31+$0xFFFFFF30];
	_ =	sdelay $0x1  }
0x36e: {  	v37 =	vadd.s32 v19, v35;
	_ =	sdelay $0x2  }
0x36f: {  	v36 =	vadd.f32 v36, v33;
	_ =	sdelay $0x1  }
0x370: {  	[tilespmem:v37+s23+$0x0] =	vst.idx.msk $0xffff, v36  }
0x371: {  	v36 =	vld [tilespmem:s31+$0xFFFFFF40];
	_ =	sdelay $0x1  }
0x372: {  	v37 =	vadd.s32 v20, v35;
	_ =	sdelay $0x2  }
0x373: {  	v36 =	vadd.f32 v36, v34;
	_ =	sdelay $0x1  }
0x374: {  	[tilespmem:v37+s23+$0x0] =	vst.idx.msk $0xffff, v36  }
0x375: {  	v36 =	vld [tilespmem:s31+$0xFFFFFF50];
	_ =	sdelay $0x1  }
0x376: {  	v37 =	vadd.s32 v21, v35;
	_ =	sdelay $0x2  }
0x377: {  	v36 =	vadd.f32 v36, v33;
	_ =	sdelay $0x1  }
0x378: {  	[tilespmem:v37+s23+$0x0] =	vst.idx.msk $0xffff, v36  }
0x379: {  	v36 =	vld [tilespmem:s31+$0xFFFFFF60];
	_ =	sdelay $0x1  }
0x37a: {  	v37 =	vadd.s32 v22, v35;
	_ =	sdelay $0x2  }
0x37b: {  	v36 =	vadd.f32 v36, v34;
	_ =	sdelay $0x1  }
0x37c: {  	[tilespmem:v37+s23+$0x0] =	vst.idx.msk $0xffff, v36  }
0x37d: {  	v36 =	vld [tilespmem:s31+$0xFFFFFF70];
	_ =	sdelay $0x1  }
0x37e: {  	v37 =	vadd.s32 v23, v35;
	_ =	sdelay $0x2  }
0x37f: {  	v36 =	vadd.f32 v36, v33;
	_ =	sdelay $0x1  }
0x380: {  	[tilespmem:v37+s23+$0x0] =	vst.idx.msk $0xffff, v36  }
0x381: {  	v36 =	vld [tilespmem:s31+$0xFFFFFF80];
	_ =	sdelay $0x1  }
0x382: {  	v37 =	vadd.s32 v24, v35;
	_ =	sdelay $0x2  }
0x383: {  	v36 =	vadd.f32 v36, v34;
	_ =	sdelay $0x1  }
0x384: {  	[tilespmem:v37+s23+$0x0] =	vst.idx.msk $0xffff, v36  }
0x385: {  	v36 =	vld [tilespmem:s31+$0xFFFFFF90];
	_ =	sdelay $0x1  }
0x386: {  	v37 =	vadd.s32 v25, v35;
	_ =	sdelay $0x2  }
0x387: {  	v36 =	vadd.f32 v36, v33;
	_ =	sdelay $0x1  }
0x388: {  	[tilespmem:v37+s23+$0x0] =	vst.idx.msk $0xffff, v36  }
0x389: {  	v36 =	vld [tilespmem:s31+$0xFFFFFFA0];
	_ =	sdelay $0x1  }
0x38a: {  	v37 =	vadd.s32 v26, v35;
	_ =	sdelay $0x2  }
0x38b: {  	v36 =	vadd.f32 v36, v34;
	_ =	sdelay $0x1  }
0x38c: {  	[tilespmem:v37+s23+$0x0] =	vst.idx.msk $0xffff, v36  }
0x38d: {  	v36 =	vld [tilespmem:s31+$0xFFFFFFB0];
	_ =	sdelay $0x1  }
0x38e: {  	v37 =	vadd.s32 v27, v35;
	_ =	sdelay $0x2  }
0x38f: {  	v36 =	vadd.f32 v36, v33;
	_ =	sdelay $0x1  }
0x390: {  	[tilespmem:v37+s23+$0x0] =	vst.idx.msk $0xffff, v36  }
0x391: {  	v36 =	vld [tilespmem:s31+$0xFFFFFFC0];
	_ =	sdelay $0x1  }
0x392: {  	v37 =	vadd.s32 v28, v35;
	_ =	sdelay $0x2  }
0x393: {  	v36 =	vadd.f32 v36, v34;
	_ =	sdelay $0x1  }
0x394: {  	[tilespmem:v37+s23+$0x0] =	vst.idx.msk $0xffff, v36  }
0x395: {  	v36 =	vld [tilespmem:s31+$0xFFFFFFD0];
	_ =	sdelay $0x1  }
0x396: {  	v37 =	vadd.s32 v29, v35;
	_ =	sdelay $0x2  }
0x397: {  	v36 =	vadd.f32 v36, v33;
	_ =	sdelay $0x1  }
0x398: {  	[tilespmem:v37+s23+$0x0] =	vst.idx.msk $0xffff, v36  }
0x399: {  	v36 =	vld [tilespmem:s31+$0xFFFFFFE0];
	_ =	sdelay $0x1  }
0x39a: {  	v37 =	vadd.s32 v30, v35;
	_ =	sdelay $0x2  }
0x39b: {  	v36 =	vadd.f32 v36, v34;
	_ =	sdelay $0x1  }
0x39c: {  	[tilespmem:v37+s23+$0x0] =	vst.idx.msk $0xffff, v36  }
0x39d: {  	v36 =	vld [tilespmem:s31+$0xFFFFFFF0];
	_ =	sdelay $0x1  }
0x39e: {  	v37 =	vadd.s32 v31, v35;
	_ =	sdelay $0x2  }
0x39f: {  	v36 =	vadd.f32 v36, v33  }
.Ltmp9:
0x3a0: {  	(pc) =	sbr.rel @p0 .LBB2_15-.Ltmp9, $3  }
0x3a1: {  	[tilespmem:v37+s23+$0x0] =	vst.idx.msk $0xffff, v36  }
0x3a2: {  	v36 =	vld [tilespmem:s31+$0x0];
	_ =	sdelay $0x1  }
0x3a3: {  	v35 =	vadd.s32 v32, v35  }
0x3a4: {  	_ = 	snop  }
0x3a5: {  	s0 =	sshll.u32 s29, $0x11  }
0x3a6: {  	s0 =	sor.u32 s7, s0;
	v33 =	vadd.f32 v36, v34  }
0x3a7: {  	s0 =	sshrl.u32 s0, $0x3  }
0x3a8: {  	s9 =	simm.s32 $0xDF00;
	s1 =	sadd.s32 s2, s0;
	[tilespmem:v35+s23+$0x0] =	vst.idx.msk $0xffff, v33  }
0x3a9: {  	[hbm4b:s1+s3] =	stream.linear.scatter [tilespmem:s9], [sflag:$0x5], $0x80, $0x38;
	[tilespmem:$0x10300] =	vst v63  }
0x3aa: {  	s11 =	simm.s32 $0xDF88;
	s9 =	sadd.s32 $0x10, s1  }
0x3ab: {  	[hbm4b:s9+s3] =	stream.linear.scatter [tilespmem:s11], [sflag:$0x5], $0x80, $0x38;
	[tilespmem:$0x10300] =	vst v63  }
0x3ac: {  	s30 =	simm.s32 $0xE010;
	s28 =	simm.s32 $0x2200;
	s31 =	sadd.s32 $0x20, s1  }
0x3ad: {  	[hbm4b:s31+s3] =	stream.linear.scatter [tilespmem:s30], [sflag:$0x5], $0x80, $0x38;
	[tilespmem:$0x10300] =	vst v63  }
0x3ae: {  	s29 =	simm.s32 $0xE2B8;
	s9 =	simm.s32 $0xE098;
	s11 =	sadd.s32 $0x30, s1  }
0x3af: {  	[hbm4b:s11+s3] =	stream.linear.scatter [tilespmem:s9], [sflag:$0x5], $0x80, $0x38;
	[tilespmem:$0x10300] =	vst v63  }
0x3b0: {  	s0 =	simm.s32 $0x440;
	s30 =	simm.s32 $0xE120;
	s31 =	sadd.s32 $0x40, s1  }
0x3b1: {  	[hbm4b:s31+s3] =	stream.linear.scatter [tilespmem:s30], [sflag:$0x5], $0x80, $0x38;
	[tilespmem:$0x10300] =	vst v63  }
0x3b2: {  	s9 =	simm.s32 $0xE1A8;
	s11 =	sadd.s32 $0x50, s1;
	s30 =	simm.s32 $0xE230  }
0x3b3: {  	[hbm4b:s11+s3] =	stream.linear.scatter [tilespmem:s9], [sflag:$0x5], $0x80, $0x38;
	[tilespmem:$0x10300] =	vst v63  }
0x3b4: {  	s31 =	sadd.s32 $0x60, s1;
	s9 =	sadd.s32 $0x70, s1;
	s1 =	sadd.s32 $0x1000, s1  }
0x3b5: {  	[hbm4b:s31+s3] =	stream.linear.scatter [tilespmem:s30], [sflag:$0x5], $0x80, $0x38;
	[tilespmem:$0x10300] =	vst v63  }
.LBB2_17:
0x3b6: {  	[hbm4b:s9+s3] =	stream.linear.scatter [tilespmem:s29], [sflag:$0x5], $0x80, $0x38;
	[tilespmem:$0x10300] =	vst v63  }
0x3b7: {  	s9 =	smov.u32 s0;
	s0 =	smov.u32 s28  }
0x3b8: {  	s11 =	sadd.s32 $0x1100, s28;
	s0 =	sshra.s32 s0, $0x2;
	s29 =	sadd.s32 $0xDF00, s9  }
0x3b9: {  	[hbm4b:s1+s3] =	stream.linear.scatter [tilespmem:s29], [sflag:$0x5], $0x80, $0x38;
	[tilespmem:$0x10300] =	vst v63  }
0x3ba: {  	p0 =	sne.s32 s28, $0x7700;
	s28 =	sadd.s32 $0xDF88, s9;
	s29 =	sadd.s32 $0x10, s1  }
0x3bb: {  	[hbm4b:s29+s3] =	stream.linear.scatter [tilespmem:s28], [sflag:$0x5], $0x80, $0x38;
	[tilespmem:$0x10300] =	vst v63  }
0x3bc: {  	s28 =	sadd.s32 $0xE010, s9;
	s29 =	sadd.s32 $0x20, s1  }
0x3bd: {  	[hbm4b:s29+s3] =	stream.linear.scatter [tilespmem:s28], [sflag:$0x5], $0x80, $0x38;
	[tilespmem:$0x10300] =	vst v63  }
0x3be: {  	s28 =	sadd.s32 $0xE098, s9;
	s29 =	sadd.s32 $0x30, s1  }
0x3bf: {  	[hbm4b:s29+s3] =	stream.linear.scatter [tilespmem:s28], [sflag:$0x5], $0x80, $0x38;
	[tilespmem:$0x10300] =	vst v63  }
0x3c0: {  	s28 =	sadd.s32 $0xE120, s9;
	s29 =	sadd.s32 $0x40, s1  }
0x3c1: {  	[hbm4b:s29+s3] =	stream.linear.scatter [tilespmem:s28], [sflag:$0x5], $0x80, $0x38;
	[tilespmem:$0x10300] =	vst v63  }
0x3c2: {  	s28 =	sadd.s32 $0xE1A8, s9;
	s29 =	sadd.s32 $0x50, s1  }
0x3c3: {  	[hbm4b:s29+s3] =	stream.linear.scatter [tilespmem:s28], [sflag:$0x5], $0x80, $0x38;
	[tilespmem:$0x10300] =	vst v63  }
.Ltmp10:
0x3c4: {  	_ = 	snop;
	(pc) =	sbr.rel @p0 .LBB2_17-.Ltmp10, $4  }
0x3c5: {  	s28 =	sadd.s32 $0xE230, s9;
	s29 =	sadd.s32 $0x60, s1  }
0x3c6: {  	[hbm4b:s29+s3] =	stream.linear.scatter [tilespmem:s28], [sflag:$0x5], $0x80, $0x38;
	[tilespmem:$0x10300] =	vst v63  }
0x3c7: {  	s29 =	sadd.s32 $0xE2B8, s9  }
0x3c8: {  	s9 =	sadd.s32 $0x70, s1;
	s1 =	sadd.s32 $0x1000, s1;
	s28 =	smov.u32 s11  }
0x3c9: {  	[hbm4b:s9+s3] =	stream.linear.scatter [tilespmem:s29], [sflag:$0x5], $0x80, $0x38;
	[tilespmem:$0x10300] =	vst v63  }
0x3ca: {  	s30 =	sadd.s32 $0xDF00, s0  }
0x3cb: {  	[hbm4b:s1+s3] =	stream.linear.scatter [tilespmem:s30], [sflag:$0x5], $0x80, $0x38;
	[tilespmem:$0x10300] =	vst v63  }
0x3cc: {  	s31 =	sadd.s32 $0xDF88, s0;
	s11 =	sadd.s32 $0x10, s1  }
0x3cd: {  	[hbm4b:s11+s3] =	stream.linear.scatter [tilespmem:s31], [sflag:$0x5], $0x80, $0x38;
	[tilespmem:$0x10300] =	vst v63  }
0x3ce: {  	s28 =	sadd.s32 $0xE010, s0;
	s29 =	sadd.s32 $0x20, s1  }
0x3cf: {  	[hbm4b:s29+s3] =	stream.linear.scatter [tilespmem:s28], [sflag:$0x5], $0x80, $0x38;
	[tilespmem:$0x10300] =	vst v63  }
0x3d0: {  	s30 =	sadd.s32 $0xE098, s0;
	s31 =	sadd.s32 $0x30, s1  }
0x3d1: {  	[hbm4b:s31+s3] =	stream.linear.scatter [tilespmem:s30], [sflag:$0x5], $0x80, $0x38;
	[tilespmem:$0x10300] =	vst v63  }
0x3d2: {  	s28 =	sadd.s32 $0xE120, s0;
	s29 =	sadd.s32 $0x40, s1  }
0x3d3: {  	[hbm4b:s29+s3] =	stream.linear.scatter [tilespmem:s28], [sflag:$0x5], $0x80, $0x38;
	[tilespmem:$0x10300] =	vst v63  }
0x3d4: {  	p0 =	seq.s32 s26, $0x31;
	s30 =	sadd.s32 $0xE1A8, s0;
	s31 =	sadd.s32 $0x50, s1  }
0x3d5: {  	[hbm4b:s31+s3] =	stream.linear.scatter [tilespmem:s30], [sflag:$0x5], $0x80, $0x38;
	[tilespmem:$0x10300] =	vst v63  }
.Ltmp11:
0x3d6: {  	_ = 	snop;
	(pc) =	sbr.rel @p0 .LBB2_20-.Ltmp11, $4  }
0x3d7: {  	s28 =	sadd.s32 $0xE230, s0;
	s29 =	sadd.s32 $0x60, s1  }
0x3d8: {  	[hbm4b:s29+s3] =	stream.linear.scatter [tilespmem:s28], [sflag:$0x5], $0x80, $0x38;
	[tilespmem:$0x10300] =	vst v63  }
0x3d9: {  	s30 =	sadd.s32 $0xE2B8, s0;
	s31 =	sadd.s32 $0x70, s1  }
0x3da: {  	[hbm4b:s31+s3] =	stream.linear.scatter [tilespmem:s30], [sflag:$0x5], $0x80, $0x38;
	[tilespmem:$0x10300] =	vst v63  }
0x3db: {  	s0 =	sshll.u32 s26, $0xB  }
0x3dc: {  	s0 =	sshra.s32 s0, $0x2  }
0x3dd: {  	v33 =	vld [tilespmem:s0+$0x300];
	_ =	sdelay $0x4  }
0x3de: {  	[tilespmem:$0x10200] =	vst v33  }
0x3df: {  	v33 =	vld [tilespmem:s0+$0x310];
	_ =	sdelay $0x4  }
0x3e0: {  	[tilespmem:$0x10210] =	vst v33  }
0x3e1: {  	v33 =	vld [tilespmem:s0+$0x320];
	_ =	sdelay $0x4  }
0x3e2: {  	[tilespmem:$0x10220] =	vst v33  }
0x3e3: {  	v33 =	vld [tilespmem:s0+$0x330];
	_ =	sdelay $0x4  }
0x3e4: {  	[tilespmem:$0x10230] =	vst v33  }
0x3e5: {  	v33 =	vld [tilespmem:s0+$0x340];
	_ =	sdelay $0x4  }
0x3e6: {  	[tilespmem:$0x10240] =	vst v33  }
0x3e7: {  	v33 =	vld [tilespmem:s0+$0x350];
	_ =	sdelay $0x4  }
0x3e8: {  	[tilespmem:$0x10250] =	vst v33  }
0x3e9: {  	v33 =	vld [tilespmem:s0+$0x360];
	_ =	sdelay $0x4  }
0x3ea: {  	[tilespmem:$0x10260] =	vst v33  }
0x3eb: {  	v33 =	vld [tilespmem:s0+$0x370];
	_ =	sdelay $0x4  }
0x3ec: {  	[tilespmem:$0x10270] =	vst v33  }
0x3ed: {  	v33 =	vld [tilespmem:s0+$0x380];
	_ =	sdelay $0x4  }
0x3ee: {  	[tilespmem:$0x10280] =	vst v33  }
0x3ef: {  	v33 =	vld [tilespmem:s0+$0x390];
	_ =	sdelay $0x4  }
0x3f0: {  	[tilespmem:$0x10290] =	vst v33  }
0x3f1: {  	v33 =	vld [tilespmem:s0+$0x3A0];
	_ =	sdelay $0x4  }
0x3f2: {  	[tilespmem:$0x102A0] =	vst v33  }
0x3f3: {  	v33 =	vld [tilespmem:s0+$0x3B0];
	_ =	sdelay $0x4  }
0x3f4: {  	[tilespmem:$0x102B0] =	vst v33  }
0x3f5: {  	v33 =	vld [tilespmem:s0+$0x3C0];
	_ =	sdelay $0x4  }
0x3f6: {  	[tilespmem:$0x102C0] =	vst v33  }
0x3f7: {  	v33 =	vld [tilespmem:s0+$0x3D0];
	_ =	sdelay $0x4  }
0x3f8: {  	[tilespmem:$0x102D0] =	vst v33  }
0x3f9: {  	v33 =	vld [tilespmem:s0+$0x3E0];
	_ =	sdelay $0x4  }
0x3fa: {  	[tilespmem:$0x102E0] =	vst v33  }
0x3fb: {  	v33 =	vld [tilespmem:s0+$0x3F0];
	_ =	sdelay $0x1  }
.Ltmp12:
0x3fc: {  	_ = 	snop;
	(pc) =	sbr.rel .LBB2_2-.Ltmp12, $3  }
0x3fd: {  	_ =	sdelay $0x1  }
0x3fe: {  	s26 =	sadd.s32 $0x1, s26;
	[tilespmem:$0x102F0] =	vst v33  }
0x3ff: {  	[tilespmem:s18], [sflag:$0x3] =	stream.indirect.gather [hbm4b:s4+s14], $0x20, s17, s14, $0xb8;
	[tilespmem:$0x10300] =	vst v63  }
.LBB2_21:
0x400: {  	_ =	sfence.sel $0x180000  }
0x401: {  	[bflag:$0x0] =	sbarrier.arrive $0xFFFF  }
0x402: {  	_ =	strace $0x90000047  }
0x403: {  	s0 =	stileid.u32;
	[bflag:$0x2] =	sbarrier.arrive $0xFFFF  }
0x404: {  	p0 =	sne.s32 s0, $0x0;
	s0 =	rddreg [dreg:$0x2]  }
0x405: {  	s0 =	sadd.s32 @!p0 $0x100000, s0  }
0x406: {  	[sflag:s0] =	ssyncadd.tile.s32 @!p0 $0x1;
	_ =	shalt  }
.Lfunc_end2:
_tile_overlayer_lowered:
.L_overlay_start_2:
0x407: {  	(tag) =	ssettag $0x2  }
0x408: {  	s0 =	rddreg [dreg:$0x0];
	s2 =	stileid.u32  }
0x409: {  	s1 =	rddreg [dreg:$0x1];
	p0 =	sne.s32 s2, $0x0  }
0x40a: {  	s3 =	rddreg [dreg:$0x2];
	[bflag:$0x3] =	sbarrier.arrive $0xFFFF;
	s2 =	simm.s32 @!p0 $0x1C06  }
0x40b: {  	[timem:s3], [sflag:s2] =	dma.local @!p0 [hbm:s0], s1  }
0x40c: {  	s0 =	simm.s32 @!p0 $0x6  }
0x40d: {  	_ =	swait.ge @!p0 [sflag:s0], s1  }
0x40e: {  	s1 =	ssub.s32 @!p0 $0x0, s1;
	[sflag:s0] =	ssyncset.done @!p0 $0x0  }
0x40f: {  	[sflag:s0] =	ssyncadd.s32 @!p0 s1  }
0x410: {  	[bflag:$0x3] =	sbarrier.arrive $0xFFFF  }
0x411: {  	_ =	shalt  }

</sc_bundles>
